<compile_context>
chip_gen: v7x
topology: tpu7x:2x2x1
jax: 0.10.2.dev20260603
libtpu: 0.0.44.dev20260713+nightly
codegen_flags: <defaults>
</compile_context>

<pallas_src>
import functools

import jax
import jax.numpy as jnp
from jax import lax
from jax.experimental import pallas as pl
from jax.experimental.pallas import tpu as pltpu
from jax.experimental.pallas import tpu_sc as plsc

BATCH = 16384
EMBED_DIM = 64



@functools.lru_cache(maxsize=None)
def _make_gather(batch, dim):
    info = plsc.get_sparse_core_info()
    nc, ns = info.num_cores, info.num_subcores
    nw = nc * ns
    assert batch % (8 * nw) == 0
    bpw = batch // nw
    mesh = plsc.VectorSubcoreMesh(core_axis_name="c", subcore_axis_name="s")

    @functools.partial(
        pl.kernel,
        mesh=mesh,
        out_type=(
            jax.ShapeDtypeStruct((batch, dim), jnp.float32),
            jax.ShapeDtypeStruct((batch, dim), jnp.float32),
        ),
        scratch_types=[
            pltpu.VMEM((bpw,), jnp.int32),
            pltpu.VMEM((bpw,), jnp.int32),
            pltpu.VMEM((bpw, dim), jnp.float32),
            pltpu.SemaphoreType.DMA,
        ],
    )
    def gather2(ut_hbm, uid_hbm, it_hbm, iid_hbm, uo_hbm, io_hbm,
                uidx_v, iidx_v, rows_v, sem):
        wid = lax.axis_index("s") * nc + lax.axis_index("c")
        base = wid * bpw
        pltpu.sync_copy(uid_hbm.at[pl.ds(base, bpw)], uidx_v)
        pltpu.sync_copy(iid_hbm.at[pl.ds(base, bpw)], iidx_v)

        def one_table(tab, idx_v, out_hbm):
            def fire(g, _):
                vec = idx_v[pl.ds(g * 16, 16)]
                for lane in range(16):
                    rid = lax.squeeze(
                        lax.slice(vec, (lane,), (lane + 1,)), (0,))
                    pltpu.async_copy(tab.at[pl.ds(rid, 1)],
                                     rows_v.at[pl.ds(g * 16 + lane, 1)], sem)
                return 0

            lax.fori_loop(0, bpw // 16, fire, 0)

            def drain(i, _):
                pltpu.make_async_copy(tab.at[pl.ds(0, 1)],
                                      rows_v.at[pl.ds(0, 1)], sem).wait()
                return 0

            lax.fori_loop(0, bpw, drain, 0)
            pltpu.sync_copy(rows_v, out_hbm.at[pl.ds(base, bpw)])

        one_table(ut_hbm, uidx_v, uo_hbm)
        one_table(it_hbm, iidx_v, io_hbm)

    return gather2



_BLK = 2048


def _mlp_body(u_ref, v_ref, w0u_ref, w0i_ref, b0_ref, w1_ref, b1_ref,
              w2_ref, b2_ref, wo_ref, bo_ref, out_ref):
    dot = functools.partial(jnp.dot, preferred_element_type=jnp.float32)
    h = dot(u_ref[...], w0u_ref[...]) + dot(v_ref[...], w0i_ref[...])
    h = jnp.maximum(h + b0_ref[...], 0.0)
    h = jnp.maximum(dot(h, w1_ref[...]) + b1_ref[...], 0.0)
    h = jnp.maximum(dot(h, w2_ref[...]) + b2_ref[...], 0.0)
    o = dot(h, wo_ref[...]) + bo_ref[...]
    out_ref[...] = jax.nn.sigmoid(o)


def _mlp(u, v, w0u, w0i, b0, w1t, b1, w2t, b2, wot, bo):
    grid = BATCH // _BLK
    row = lambda i: (i, 0)
    rep = lambda i: (0, 0)
    return pl.pallas_call(
        _mlp_body,
        grid=(grid,),
        in_specs=[
            pl.BlockSpec((_BLK, EMBED_DIM), row),
            pl.BlockSpec((_BLK, EMBED_DIM), row),
            pl.BlockSpec(w0u.shape, rep),
            pl.BlockSpec(w0i.shape, rep),
            pl.BlockSpec(b0.shape, rep),
            pl.BlockSpec(w1t.shape, rep),
            pl.BlockSpec(b1.shape, rep),
            pl.BlockSpec(w2t.shape, rep),
            pl.BlockSpec(b2.shape, rep),
            pl.BlockSpec(wot.shape, rep),
            pl.BlockSpec(bo.shape, rep),
        ],
        out_specs=pl.BlockSpec((_BLK, 1), row),
        out_shape=jax.ShapeDtypeStruct((BATCH, 1), jnp.float32),
    )(u, v, w0u, w0i, b0, w1t, b1, w2t, b2, wot, bo)


def kernel(user_ids, item_ids, user_table, item_table,
           W0, b0, W1, b1, W2, b2, Wo, bo):
    u_emb, i_emb = _make_gather(BATCH, EMBED_DIM)(
        user_table, user_ids.astype(jnp.int32),
        item_table, item_ids.astype(jnp.int32))
    w0u = W0[:, :EMBED_DIM].T
    w0i = W0[:, EMBED_DIM:].T
    return _mlp(u_emb, i_emb, w0u, w0i, b0.reshape(1, -1),
                W1.T, b1.reshape(1, -1), W2.T, b2.reshape(1, -1),
                Wo.T, bo.reshape(1, 1))

# --- scband reference (transcript-rebuilt; emitter-appended) ---
"""Pipeline reference for scband-ncf-18021682774917 (READ-ONLY COPY).

The authoritative reference and input builder live on the scoring server;
editing this copy changes nothing except your own understanding.
"""

import jax, jax.numpy as jnp
import numpy as np

NUM_USERS = 1000000
NUM_ITEMS = 1000000
EMBED_DIM = 64
BATCH = 16384
LAYERS = [128, 64, 32]


def setup_inputs(seed: int = 0) -> dict:
    key = jax.random.key(seed)
    ks = jax.random.split(key, 14)
    user_ids = jax.random.randint(ks[0], (BATCH,), 0, NUM_USERS, dtype=jnp.int64) if jax.config.jax_enable_x64 else jax.random.randint(ks[0], (BATCH,), 0, NUM_USERS, dtype=jnp.int32)
    item_ids = jax.random.randint(ks[1], (BATCH,), 0, NUM_ITEMS, dtype=jnp.int64) if jax.config.jax_enable_x64 else jax.random.randint(ks[1], (BATCH,), 0, NUM_ITEMS, dtype=jnp.int32)
    user_table = jax.random.normal(ks[2], (NUM_USERS, EMBED_DIM), dtype=jnp.float32) * 0.02
    item_table = jax.random.normal(ks[3], (NUM_ITEMS, EMBED_DIM), dtype=jnp.float32) * 0.02
    # fc layers: in sizes 128 -> 128, 128 -> 64, 64 -> 32; output 32 -> 1 (torch Linear: W[out,in])
    W0 = jax.random.normal(ks[4], (128, 128), dtype=jnp.float32) * (1.0 / np.sqrt(128))
    b0 = jnp.zeros((128,), dtype=jnp.float32)
    W1 = jax.random.normal(ks[5], (64, 128), dtype=jnp.float32) * (1.0 / np.sqrt(128))
    b1 = jnp.zeros((64,), dtype=jnp.float32)
    W2 = jax.random.normal(ks[6], (32, 64), dtype=jnp.float32) * (1.0 / np.sqrt(64))
    b2 = jnp.zeros((32,), dtype=jnp.float32)
    Wo = jax.random.normal(ks[7], (1, 32), dtype=jnp.float32) * (1.0 / np.sqrt(32))
    bo = jnp.zeros((1,), dtype=jnp.float32)
    return {
        "user_ids": user_ids,
        "item_ids": item_ids,
        "user_table": user_table,
        "item_table": item_table,
        "W0": W0, "b0": b0,
        "W1": W1, "b1": b1,
        "W2": W2, "b2": b2,
        "Wo": Wo, "bo": bo,
    }


def reference(user_ids, item_ids, user_table, item_table, W0, b0, W1, b1, W2, b2, Wo, bo):
    user_embeds = jnp.take(user_table, user_ids, axis=0)
    item_embeds = jnp.take(item_table, item_ids, axis=0)
    x = jnp.concatenate([user_embeds, item_embeds], axis=-1)
    x = jax.nn.relu(x @ W0.T + b0)
    x = jax.nn.relu(x @ W1.T + b1)
    x = jax.nn.relu(x @ W2.T + b2)
    x = x @ Wo.T + bo
    return jax.nn.sigmoid(x)

if __name__ == "__main__":
    import jax
    _d = setup_inputs()
    print(jax.jit(kernel)(*tuple(_d.values())))

</pallas_src>

<mosaic_0001>
#map = affine_map<(d0, d1) -> (0, 0)>
#map1 = affine_map<(d0, d1) -> (0)>
module attributes {stable_mosaic.version = 14 : i64} {
  func.func @gather2(%arg0: i32, %arg1: i32, %arg2: memref<1000000x64xf32, #tpu.memory_space<hbm>>, %arg3: memref<16384xi32, #tpu.memory_space<hbm>>, %arg4: memref<1000000x64xf32, #tpu.memory_space<hbm>>, %arg5: memref<16384xi32, #tpu.memory_space<hbm>>, %arg6: memref<16384x64xf32, #tpu.memory_space<hbm>>, %arg7: memref<16384x64xf32, #tpu.memory_space<hbm>>, %arg8: memref<512xi32, #tpu.memory_space<vmem>>, %arg9: memref<512xi32, #tpu.memory_space<vmem>>, %arg10: memref<512x64xf32, #tpu.memory_space<vmem>>, %arg11: memref<!tpu.dma_semaphore, #tpu.memory_space<semaphore_mem>>) attributes {dimension_semantics = [#tpu.dimension_semantics<core_parallel>, #tpu.dimension_semantics<subcore_parallel>], iteration_bounds = array<i64: 2, 16>, scalar_prefetch = 0 : i64, scratch_operands = 4 : i64, tpu.core_type = #tpu.core_type<sc_vector_subcore>, window_params = [{transform_indices = #map}, {transform_indices = #map1}, {transform_indices = #map}, {transform_indices = #map1}, {transform_indices = #map}, {transform_indices = #map}]} {
    %mul3A = arith.constant 2 : i32
    %mul3A_0 = arith.muli %arg1, %mul3A : i32
    %add3A = arith.addi %mul3A_0, %arg0 : i32
    %mul3A_1 = arith.constant 512 : i32
    %mul3A_2 = arith.muli %add3A, %mul3A_1 : i32
    "tpu.region"() ({
      %run_scoped3A = tpu.sem_alloc : memref<!tpu.dma_semaphore, #tpu.memory_space<semaphore_mem>>
      %dma_start3A = tpu.memref_slice %arg3[%mul3A_2] : memref<16384xi32, #tpu.memory_space<hbm>> -> memref<512xi32, #tpu.memory_space<hbm>>
      %dma_start3A_30 = tpu.memref_slice %arg3[%mul3A_2] : memref<16384xi32, #tpu.memory_space<hbm>> -> memref<512xi32, #tpu.memory_space<hbm>>
      tpu.enqueue_dma source(%dma_start3A_30 : memref<512xi32, #tpu.memory_space<hbm>>) target(%arg8 : memref<512xi32, #tpu.memory_space<vmem>>) target_semaphore(%run_scoped3A : memref<!tpu.dma_semaphore, #tpu.memory_space<semaphore_mem>>)
      %dma_wait3A = tpu.memref_slice %arg3[%mul3A_2] : memref<16384xi32, #tpu.memory_space<hbm>> -> memref<512xi32, #tpu.memory_space<hbm>>
      %dma_wait3A_31 = tpu.memref_slice %arg3[%mul3A_2] : memref<16384xi32, #tpu.memory_space<hbm>> -> memref<512xi32, #tpu.memory_space<hbm>>
      tpu.wait_dma2 semaphore(%run_scoped3A : memref<!tpu.dma_semaphore, #tpu.memory_space<semaphore_mem>>) src(%dma_wait3A_31 : memref<512xi32, #tpu.memory_space<hbm>>) dst(%arg8 : memref<512xi32, #tpu.memory_space<vmem>>)
      tpu.yield
    }) : () -> ()
    "tpu.region"() ({
      %run_scoped3A = tpu.sem_alloc : memref<!tpu.dma_semaphore, #tpu.memory_space<semaphore_mem>>
      %dma_start3A = tpu.memref_slice %arg5[%mul3A_2] : memref<16384xi32, #tpu.memory_space<hbm>> -> memref<512xi32, #tpu.memory_space<hbm>>
      %dma_start3A_30 = tpu.memref_slice %arg5[%mul3A_2] : memref<16384xi32, #tpu.memory_space<hbm>> -> memref<512xi32, #tpu.memory_space<hbm>>
      tpu.enqueue_dma source(%dma_start3A_30 : memref<512xi32, #tpu.memory_space<hbm>>) target(%arg9 : memref<512xi32, #tpu.memory_space<vmem>>) target_semaphore(%run_scoped3A : memref<!tpu.dma_semaphore, #tpu.memory_space<semaphore_mem>>)
      %dma_wait3A = tpu.memref_slice %arg5[%mul3A_2] : memref<16384xi32, #tpu.memory_space<hbm>> -> memref<512xi32, #tpu.memory_space<hbm>>
      %dma_wait3A_31 = tpu.memref_slice %arg5[%mul3A_2] : memref<16384xi32, #tpu.memory_space<hbm>> -> memref<512xi32, #tpu.memory_space<hbm>>
      tpu.wait_dma2 semaphore(%run_scoped3A : memref<!tpu.dma_semaphore, #tpu.memory_space<semaphore_mem>>) src(%dma_wait3A_31 : memref<512xi32, #tpu.memory_space<hbm>>) dst(%arg9 : memref<512xi32, #tpu.memory_space<vmem>>)
      tpu.yield
    }) : () -> ()
    %scan3A = arith.constant 0 : i32
    %scan3A_3 = arith.constant 0 : i32
    %scan3A_4 = arith.constant 32 : i32
    %scan3A_5 = arith.addi %scan3A_3, %scan3A_4 : i32
    %scan3A_6 = arith.constant 1 : i32
    %scan3A_7 = scf.for %scan3A_30 = %scan3A_3 to %scan3A_5 step %scan3A_6 iter_args(%scan3A_31 = %scan3A) -> (i32)  : i32 {
      %mul3A_32 = arith.constant 16 : i32
      %mul3A_33 = arith.muli %scan3A_30, %mul3A_32 : i32
      %get3A = arith.index_cast %mul3A_33 : i32 to index
      %get3A_34 = tpu.vector_load %arg8[%get3A] {strides = array<i32>} : memref<512xi32, #tpu.memory_space<vmem>>, vector<16xi32>,
      %get3A_35 = vector.shape_cast %get3A_34 : vector<16xi32> to vector<16xi32>
      %slice3A = vector.extract_strided_slice %get3A_35 {offsets = [0], sizes = [1], strides = [1]} : vector<16xi32> to vector<1xi32>
      %squeeze3A = vector.extract %slice3A[0] : i32 from vector<1xi32>
      %mul3A_36 = arith.constant 16 : i32
      %mul3A_37 = arith.muli %scan3A_30, %mul3A_36 : i32
      %add3A_38 = arith.constant 0 : i32
      %add3A_39 = arith.addi %mul3A_37, %add3A_38 : i32
      %dma_start3A = arith.constant 0 : i32
      %dma_start3A_40 = tpu.memref_slice %arg10[%add3A_39, %dma_start3A] : memref<512x64xf32, #tpu.memory_space<vmem>> -> memref<1x64xf32, #tpu.memory_space<vmem>>
      %dma_start3A_41 = arith.constant 0 : i32
      %dma_start3A_42 = tpu.memref_slice %arg2[%squeeze3A, %dma_start3A_41] : memref<1000000x64xf32, #tpu.memory_space<hbm>> -> memref<1x64xf32, #tpu.memory_space<hbm>>
      %dma_start3A_43 = arith.constant 0 : i32
      %dma_start3A_44 = tpu.memref_slice %arg10[%add3A_39, %dma_start3A_43] : memref<512x64xf32, #tpu.memory_space<vmem>> -> memref<1x64xf32, #tpu.memory_space<vmem>>
      %dma_start3A_45 = arith.constant 0 : i32
      %dma_start3A_46 = tpu.memref_slice %arg2[%squeeze3A, %dma_start3A_45] : memref<1000000x64xf32, #tpu.memory_space<hbm>> -> memref<1x64xf32, #tpu.memory_space<hbm>>
      tpu.enqueue_dma source(%dma_start3A_46 : memref<1x64xf32, #tpu.memory_space<hbm>>) target(%dma_start3A_44 : memref<1x64xf32, #tpu.memory_space<vmem>>) target_semaphore(%arg11 : memref<!tpu.dma_semaphore, #tpu.memory_space<semaphore_mem>>)
      %slice3A_47 = vector.extract_strided_slice %get3A_35 {offsets = [1], sizes = [1], strides = [1]} : vector<16xi32> to vector<1xi32>
      %squeeze3A_48 = vector.extract %slice3A_47[0] : i32 from vector<1xi32>
      %mul3A_49 = arith.constant 16 : i32
      %mul3A_50 = arith.muli %scan3A_30, %mul3A_49 : i32
      %add3A_51 = arith.constant 1 : i32
      %add3A_52 = arith.addi %mul3A_50, %add3A_51 : i32
      %dma_start3A_53 = arith.constant 0 : i32
      %dma_start3A_54 = tpu.memref_slice %arg10[%add3A_52, %dma_start3A_53] : memref<512x64xf32, #tpu.memory_space<vmem>> -> memref<1x64xf32, #tpu.memory_space<vmem>>
      %dma_start3A_55 = arith.constant 0 : i32
      %dma_start3A_56 = tpu.memref_slice %arg2[%squeeze3A_48, %dma_start3A_55] : memref<1000000x64xf32, #tpu.memory_space<hbm>> -> memref<1x64xf32, #tpu.memory_space<hbm>>
      %dma_start3A_57 = arith.constant 0 : i32
      %dma_start3A_58 = tpu.memref_slice %arg10[%add3A_52, %dma_start3A_57] : memref<512x64xf32, #tpu.memory_space<vmem>> -> memref<1x64xf32, #tpu.memory_space<vmem>>
      %dma_start3A_59 = arith.constant 0 : i32
      %dma_start3A_60 = tpu.memref_slice %arg2[%squeeze3A_48, %dma_start3A_59] : memref<1000000x64xf32, #tpu.memory_space<hbm>> -> memref<1x64xf32, #tpu.memory_space<hbm>>
      tpu.enqueue_dma source(%dma_start3A_60 : memref<1x64xf32, #tpu.memory_space<hbm>>) target(%dma_start3A_58 : memref<1x64xf32, #tpu.memory_space<vmem>>) target_semaphore(%arg11 : memref<!tpu.dma_semaphore, #tpu.memory_space<semaphore_mem>>)
      %slice3A_61 = vector.extract_strided_slice %get3A_35 {offsets = [2], sizes = [1], strides = [1]} : vector<16xi32> to vector<1xi32>
      %squeeze3A_62 = vector.extract %slice3A_61[0] : i32 from vector<1xi32>
      %mul3A_63 = arith.constant 16 : i32
      %mul3A_64 = arith.muli %scan3A_30, %mul3A_63 : i32
      %add3A_65 = arith.constant 2 : i32
      %add3A_66 = arith.addi %mul3A_64, %add3A_65 : i32
      %dma_start3A_67 = arith.constant 0 : i32
      %dma_start3A_68 = tpu.memref_slice %arg10[%add3A_66, %dma_start3A_67] : memref<512x64xf32, #tpu.memory_space<vmem>> -> memref<1x64xf32, #tpu.memory_space<vmem>>
      %dma_start3A_69 = arith.constant 0 : i32
      %dma_start3A_70 = tpu.memref_slice %arg2[%squeeze3A_62, %dma_start3A_69] : memref<1000000x64xf32, #tpu.memory_space<hbm>> -> memref<1x64xf32, #tpu.memory_space<hbm>>
      %dma_start3A_71 = arith.constant 0 : i32
      %dma_start3A_72 = tpu.memref_slice %arg10[%add3A_66, %dma_start3A_71] : memref<512x64xf32, #tpu.memory_space<vmem>> -> memref<1x64xf32, #tpu.memory_space<vmem>>
      %dma_start3A_73 = arith.constant 0 : i32
      %dma_start3A_74 = tpu.memref_slice %arg2[%squeeze3A_62, %dma_start3A_73] : memref<1000000x64xf32, #tpu.memory_space<hbm>> -> memref<1x64xf32, #tpu.memory_space<hbm>>
      tpu.enqueue_dma source(%dma_start3A_74 : memref<1x64xf32, #tpu.memory_space<hbm>>) target(%dma_start3A_72 : memref<1x64xf32, #tpu.memory_space<vmem>>) target_semaphore(%arg11 : memref<!tpu.dma_semaphore, #tpu.memory_space<semaphore_mem>>)
      %slice3A_75 = vector.extract_strided_slice %get3A_35 {offsets = [3], sizes = [1], strides = [1]} : vector<16xi32> to vector<1xi32>
      %squeeze3A_76 = vector.extract %slice3A_75[0] : i32 from vector<1xi32>
      %mul3A_77 = arith.constant 16 : i32
      %mul3A_78 = arith.muli %scan3A_30, %mul3A_77 : i32
      %add3A_79 = arith.constant 3 : i32
      %add3A_80 = arith.addi %mul3A_78, %add3A_79 : i32
      %dma_start3A_81 = arith.constant 0 : i32
      %dma_start3A_82 = tpu.memref_slice %arg10[%add3A_80, %dma_start3A_81] : memref<512x64xf32, #tpu.memory_space<vmem>> -> memref<1x64xf32, #tpu.memory_space<vmem>>
      %dma_start3A_83 = arith.constant 0 : i32
      %dma_start3A_84 = tpu.memref_slice %arg2[%squeeze3A_76, %dma_start3A_83] : memref<1000000x64xf32, #tpu.memory_space<hbm>> -> memref<1x64xf32, #tpu.memory_space<hbm>>
      %dma_start3A_85 = arith.constant 0 : i32
      %dma_start3A_86 = tpu.memref_slice %arg10[%add3A_80, %dma_start3A_85] : memref<512x64xf32, #tpu.memory_space<vmem>> -> memref<1x64xf32, #tpu.memory_space<vmem>>
      %dma_start3A_87 = arith.constant 0 : i32
      %dma_start3A_88 = tpu.memref_slice %arg2[%squeeze3A_76, %dma_start3A_87] : memref<1000000x64xf32, #tpu.memory_space<hbm>> -> memref<1x64xf32, #tpu.memory_space<hbm>>
      tpu.enqueue_dma source(%dma_start3A_88 : memref<1x64xf32, #tpu.memory_space<hbm>>) target(%dma_start3A_86 : memref<1x64xf32, #tpu.memory_space<vmem>>) target_semaphore(%arg11 : memref<!tpu.dma_semaphore, #tpu.memory_space<semaphore_mem>>)
      %slice3A_89 = vector.extract_strided_slice %get3A_35 {offsets = [4], sizes = [1], strides = [1]} : vector<16xi32> to vector<1xi32>
      %squeeze3A_90 = vector.extract %slice3A_89[0] : i32 from vector<1xi32>
      %mul3A_91 = arith.constant 16 : i32
      %mul3A_92 = arith.muli %scan3A_30, %mul3A_91 : i32
      %add3A_93 = arith.constant 4 : i32
      %add3A_94 = arith.addi %mul3A_92, %add3A_93 : i32
      %dma_start3A_95 = arith.constant 0 : i32
      %dma_start3A_96 = tpu.memref_slice %arg10[%add3A_94, %dma_start3A_95] : memref<512x64xf32, #tpu.memory_space<vmem>> -> memref<1x64xf32, #tpu.memory_space<vmem>>
      %dma_start3A_97 = arith.constant 0 : i32
      %dma_start3A_98 = tpu.memref_slice %arg2[%squeeze3A_90, %dma_start3A_97] : memref<1000000x64xf32, #tpu.memory_space<hbm>> -> memref<1x64xf32, #tpu.memory_space<hbm>>
      %dma_start3A_99 = arith.constant 0 : i32
      %dma_start3A_100 = tpu.memref_slice %arg10[%add3A_94, %dma_start3A_99] : memref<512x64xf32, #tpu.memory_space<vmem>> -> memref<1x64xf32, #tpu.memory_space<vmem>>
      %dma_start3A_101 = arith.constant 0 : i32
      %dma_start3A_102 = tpu.memref_slice %arg2[%squeeze3A_90, %dma_start3A_101] : memref<1000000x64xf32, #tpu.memory_space<hbm>> -> memref<1x64xf32, #tpu.memory_space<hbm>>
      tpu.enqueue_dma source(%dma_start3A_102 : memref<1x64xf32, #tpu.memory_space<hbm>>) target(%dma_start3A_100 : memref<1x64xf32, #tpu.memory_space<vmem>>) target_semaphore(%arg11 : memref<!tpu.dma_semaphore, #tpu.memory_space<semaphore_mem>>)
      %slice3A_103 = vector.extract_strided_slice %get3A_35 {offsets = [5], sizes = [1], strides = [1]} : vector<16xi32> to vector<1xi32>
      %squeeze3A_104 = vector.extract %slice3A_103[0] : i32 from vector<1xi32>
      %mul3A_105 = arith.constant 16 : i32
      %mul3A_106 = arith.muli %scan3A_30, %mul3A_105 : i32
      %add3A_107 = arith.constant 5 : i32
      %add3A_108 = arith.addi %mul3A_106, %add3A_107 : i32
      %dma_start3A_109 = arith.constant 0 : i32
      %dma_start3A_110 = tpu.memref_slice %arg10[%add3A_108, %dma_start3A_109] : memref<512x64xf32, #tpu.memory_space<vmem>> -> memref<1x64xf32, #tpu.memory_space<vmem>>
      %dma_start3A_111 = arith.constant 0 : i32
      %dma_start3A_112 = tpu.memref_slice %arg2[%squeeze3A_104, %dma_start3A_111] : memref<1000000x64xf32, #tpu.memory_space<hbm>> -> memref<1x64xf32, #tpu.memory_space<hbm>>
      %dma_start3A_113 = arith.constant 0 : i32
      %dma_start3A_114 = tpu.memref_slice %arg10[%add3A_108, %dma_start3A_113] : memref<512x64xf32, #tpu.memory_space<vmem>> -> memref<1x64xf32, #tpu.memory_space<vmem>>
      %dma_start3A_115 = arith.constant 0 : i32
      %dma_start3A_116 = tpu.memref_slice %arg2[%squeeze3A_104, %dma_start3A_115] : memref<1000000x64xf32, #tpu.memory_space<hbm>> -> memref<1x64xf32, #tpu.memory_space<hbm>>
      tpu.enqueue_dma source(%dma_start3A_116 : memref<1x64xf32, #tpu.memory_space<hbm>>) target(%dma_start3A_114 : memref<1x64xf32, #tpu.memory_space<vmem>>) target_semaphore(%arg11 : memref<!tpu.dma_semaphore, #tpu.memory_space<semaphore_mem>>)
      %slice3A_117 = vector.extract_strided_slice %get3A_35 {offsets = [6], sizes = [1], strides = [1]} : vector<16xi32> to vector<1xi32>
      %squeeze3A_118 = vector.extract %slice3A_117[0] : i32 from vector<1xi32>
      %mul3A_119 = arith.constant 16 : i32
      %mul3A_120 = arith.muli %scan3A_30, %mul3A_119 : i32
      %add3A_121 = arith.constant 6 : i32
      %add3A_122 = arith.addi %mul3A_120, %add3A_121 : i32
      %dma_start3A_123 = arith.constant 0 : i32
      %dma_start3A_124 = tpu.memref_slice %arg10[%add3A_122, %dma_start3A_123] : memref<512x64xf32, #tpu.memory_space<vmem>> -> memref<1x64xf32, #tpu.memory_space<vmem>>
      %dma_start3A_125 = arith.constant 0 : i32
      %dma_start3A_126 = tpu.memref_slice %arg2[%squeeze3A_118, %dma_start3A_125] : memref<1000000x64xf32, #tpu.memory_space<hbm>> -> memref<1x64xf32, #tpu.memory_space<hbm>>
      %dma_start3A_127 = arith.constant 0 : i32
      %dma_start3A_128 = tpu.memref_slice %arg10[%add3A_122, %dma_start3A_127] : memref<512x64xf32, #tpu.memory_space<vmem>> -> memref<1x64xf32, #tpu.memory_space<vmem>>
      %dma_start3A_129 = arith.constant 0 : i32
      %dma_start3A_130 = tpu.memref_slice %arg2[%squeeze3A_118, %dma_start3A_129] : memref<1000000x64xf32, #tpu.memory_space<hbm>> -> memref<1x64xf32, #tpu.memory_space<hbm>>
      tpu.enqueue_dma source(%dma_start3A_130 : memref<1x64xf32, #tpu.memory_space<hbm>>) target(%dma_start3A_128 : memref<1x64xf32, #tpu.memory_space<vmem>>) target_semaphore(%arg11 : memref<!tpu.dma_semaphore, #tpu.memory_space<semaphore_mem>>)
      %slice3A_131 = vector.extract_strided_slice %get3A_35 {offsets = [7], sizes = [1], strides = [1]} : vector<16xi32> to vector<1xi32>
      %squeeze3A_132 = vector.extract %slice3A_131[0] : i32 from vector<1xi32>
      %mul3A_133 = arith.constant 16 : i32
      %mul3A_134 = arith.muli %scan3A_30, %mul3A_133 : i32
      %add3A_135 = arith.constant 7 : i32
      %add3A_136 = arith.addi %mul3A_134, %add3A_135 : i32
      %dma_start3A_137 = arith.constant 0 : i32
      %dma_start3A_138 = tpu.memref_slice %arg10[%add3A_136, %dma_start3A_137] : memref<512x64xf32, #tpu.memory_space<vmem>> -> memref<1x64xf32, #tpu.memory_space<vmem>>
      %dma_start3A_139 = arith.constant 0 : i32
      %dma_start3A_140 = tpu.memref_slice %arg2[%squeeze3A_132, %dma_start3A_139] : memref<1000000x64xf32, #tpu.memory_space<hbm>> -> memref<1x64xf32, #tpu.memory_space<hbm>>
      %dma_start3A_141 = arith.constant 0 : i32
      %dma_start3A_142 = tpu.memref_slice %arg10[%add3A_136, %dma_start3A_141] : memref<512x64xf32, #tpu.memory_space<vmem>> -> memref<1x64xf32, #tpu.memory_space<vmem>>
      %dma_start3A_143 = arith.constant 0 : i32
      %dma_start3A_144 = tpu.memref_slice %arg2[%squeeze3A_132, %dma_start3A_143] : memref<1000000x64xf32, #tpu.memory_space<hbm>> -> memref<1x64xf32, #tpu.memory_space<hbm>>
      tpu.enqueue_dma source(%dma_start3A_144 : memref<1x64xf32, #tpu.memory_space<hbm>>) target(%dma_start3A_142 : memref<1x64xf32, #tpu.memory_space<vmem>>) target_semaphore(%arg11 : memref<!tpu.dma_semaphore, #tpu.memory_space<semaphore_mem>>)
      %slice3A_145 = vector.extract_strided_slice %get3A_35 {offsets = [8], sizes = [1], strides = [1]} : vector<16xi32> to vector<1xi32>
      %squeeze3A_146 = vector.extract %slice3A_145[0] : i32 from vector<1xi32>
      %mul3A_147 = arith.constant 16 : i32
      %mul3A_148 = arith.muli %scan3A_30, %mul3A_147 : i32
      %add3A_149 = arith.constant 8 : i32
      %add3A_150 = arith.addi %mul3A_148, %add3A_149 : i32
      %dma_start3A_151 = arith.constant 0 : i32
      %dma_start3A_152 = tpu.memref_slice %arg10[%add3A_150, %dma_start3A_151] : memref<512x64xf32, #tpu.memory_space<vmem>> -> memref<1x64xf32, #tpu.memory_space<vmem>>
      %dma_start3A_153 = arith.constant 0 : i32
      %dma_start3A_154 = tpu.memref_slice %arg2[%squeeze3A_146, %dma_start3A_153] : memref<1000000x64xf32, #tpu.memory_space<hbm>> -> memref<1x64xf32, #tpu.memory_space<hbm>>
      %dma_start3A_155 = arith.constant 0 : i32
      %dma_start3A_156 = tpu.memref_slice %arg10[%add3A_150, %dma_start3A_155] : memref<512x64xf32, #tpu.memory_space<vmem>> -> memref<1x64xf32, #tpu.memory_space<vmem>>
      %dma_start3A_157 = arith.constant 0 : i32
      %dma_start3A_158 = tpu.memref_slice %arg2[%squeeze3A_146, %dma_start3A_157] : memref<1000000x64xf32, #tpu.memory_space<hbm>> -> memref<1x64xf32, #tpu.memory_space<hbm>>
      tpu.enqueue_dma source(%dma_start3A_158 : memref<1x64xf32, #tpu.memory_space<hbm>>) target(%dma_start3A_156 : memref<1x64xf32, #tpu.memory_space<vmem>>) target_semaphore(%arg11 : memref<!tpu.dma_semaphore, #tpu.memory_space<semaphore_mem>>)
      %slice3A_159 = vector.extract_strided_slice %get3A_35 {offsets = [9], sizes = [1], strides = [1]} : vector<16xi32> to vector<1xi32>
      %squeeze3A_160 = vector.extract %slice3A_159[0] : i32 from vector<1xi32>
      %mul3A_161 = arith.constant 16 : i32
      %mul3A_162 = arith.muli %scan3A_30, %mul3A_161 : i32
      %add3A_163 = arith.constant 9 : i32
      %add3A_164 = arith.addi %mul3A_162, %add3A_163 : i32
      %dma_start3A_165 = arith.constant 0 : i32
      %dma_start3A_166 = tpu.memref_slice %arg10[%add3A_164, %dma_start3A_165] : memref<512x64xf32, #tpu.memory_space<vmem>> -> memref<1x64xf32, #tpu.memory_space<vmem>>
      %dma_start3A_167 = arith.constant 0 : i32
      %dma_start3A_168 = tpu.memref_slice %arg2[%squeeze3A_160, %dma_start3A_167] : memref<1000000x64xf32, #tpu.memory_space<hbm>> -> memref<1x64xf32, #tpu.memory_space<hbm>>
      %dma_start3A_169 = arith.constant 0 : i32
      %dma_start3A_170 = tpu.memref_slice %arg10[%add3A_164, %dma_start3A_169] : memref<512x64xf32, #tpu.memory_space<vmem>> -> memref<1x64xf32, #tpu.memory_space<vmem>>
      %dma_start3A_171 = arith.constant 0 : i32
      %dma_start3A_172 = tpu.memref_slice %arg2[%squeeze3A_160, %dma_start3A_171] : memref<1000000x64xf32, #tpu.memory_space<hbm>> -> memref<1x64xf32, #tpu.memory_space<hbm>>
      tpu.enqueue_dma source(%dma_start3A_172 : memref<1x64xf32, #tpu.memory_space<hbm>>) target(%dma_start3A_170 : memref<1x64xf32, #tpu.memory_space<vmem>>) target_semaphore(%arg11 : memref<!tpu.dma_semaphore, #tpu.memory_space<semaphore_mem>>)
      %slice3A_173 = vector.extract_strided_slice %get3A_35 {offsets = [10], sizes = [1], strides = [1]} : vector<16xi32> to vector<1xi32>
      %squeeze3A_174 = vector.extract %slice3A_173[0] : i32 from vector<1xi32>
      %mul3A_175 = arith.constant 16 : i32
      %mul3A_176 = arith.muli %scan3A_30, %mul3A_175 : i32
      %add3A_177 = arith.constant 10 : i32
      %add3A_178 = arith.addi %mul3A_176, %add3A_177 : i32
      %dma_start3A_179 = arith.constant 0 : i32
      %dma_start3A_180 = tpu.memref_slice %arg10[%add3A_178, %dma_start3A_179] : memref<512x64xf32, #tpu.memory_space<vmem>> -> memref<1x64xf32, #tpu.memory_space<vmem>>
      %dma_start3A_181 = arith.constant 0 : i32
      %dma_start3A_182 = tpu.memref_slice %arg2[%squeeze3A_174, %dma_start3A_181] : memref<1000000x64xf32, #tpu.memory_space<hbm>> -> memref<1x64xf32, #tpu.memory_space<hbm>>
      %dma_start3A_183 = arith.constant 0 : i32
      %dma_start3A_184 = tpu.memref_slice %arg10[%add3A_178, %dma_start3A_183] : memref<512x64xf32, #tpu.memory_space<vmem>> -> memref<1x64xf32, #tpu.memory_space<vmem>>
      %dma_start3A_185 = arith.constant 0 : i32
      %dma_start3A_186 = tpu.memref_slice %arg2[%squeeze3A_174, %dma_start3A_185] : memref<1000000x64xf32, #tpu.memory_space<hbm>> -> memref<1x64xf32, #tpu.memory_space<hbm>>
      tpu.enqueue_dma source(%dma_start3A_186 : memref<1x64xf32, #tpu.memory_space<hbm>>) target(%dma_start3A_184 : memref<1x64xf32, #tpu.memory_space<vmem>>) target_semaphore(%arg11 : memref<!tpu.dma_semaphore, #tpu.memory_space<semaphore_mem>>)
      %slice3A_187 = vector.extract_strided_slice %get3A_35 {offsets = [11], sizes = [1], strides = [1]} : vector<16xi32> to vector<1xi32>
      %squeeze3A_188 = vector.extract %slice3A_187[0] : i32 from vector<1xi32>
      %mul3A_189 = arith.constant 16 : i32
      %mul3A_190 = arith.muli %scan3A_30, %mul3A_189 : i32
      %add3A_191 = arith.constant 11 : i32
      %add3A_192 = arith.addi %mul3A_190, %add3A_191 : i32
      %dma_start3A_193 = arith.constant 0 : i32
      %dma_start3A_194 = tpu.memref_slice %arg10[%add3A_192, %dma_start3A_193] : memref<512x64xf32, #tpu.memory_space<vmem>> -> memref<1x64xf32, #tpu.memory_space<vmem>>
      %dma_start3A_195 = arith.constant 0 : i32
      %dma_start3A_196 = tpu.memref_slice %arg2[%squeeze3A_188, %dma_start3A_195] : memref<1000000x64xf32, #tpu.memory_space<hbm>> -> memref<1x64xf32, #tpu.memory_space<hbm>>
      %dma_start3A_197 = arith.constant 0 : i32
      %dma_start3A_198 = tpu.memref_slice %arg10[%add3A_192, %dma_start3A_197] : memref<512x64xf32, #tpu.memory_space<vmem>> -> memref<1x64xf32, #tpu.memory_space<vmem>>
      %dma_start3A_199 = arith.constant 0 : i32
      %dma_start3A_200 = tpu.memref_slice %arg2[%squeeze3A_188, %dma_start3A_199] : memref<1000000x64xf32, #tpu.memory_space<hbm>> -> memref<1x64xf32, #tpu.memory_space<hbm>>
      tpu.enqueue_dma source(%dma_start3A_200 : memref<1x64xf32, #tpu.memory_space<hbm>>) target(%dma_start3A_198 : memref<1x64xf32, #tpu.memory_space<vmem>>) target_semaphore(%arg11 : memref<!tpu.dma_semaphore, #tpu.memory_space<semaphore_mem>>)
      %slice3A_201 = vector.extract_strided_slice %get3A_35 {offsets = [12], sizes = [1], strides = [1]} : vector<16xi32> to vector<1xi32>
      %squeeze3A_202 = vector.extract %slice3A_201[0] : i32 from vector<1xi32>
      %mul3A_203 = arith.constant 16 : i32
      %mul3A_204 = arith.muli %scan3A_30, %mul3A_203 : i32
      %add3A_205 = arith.constant 12 : i32
      %add3A_206 = arith.addi %mul3A_204, %add3A_205 : i32
      %dma_start3A_207 = arith.constant 0 : i32
      %dma_start3A_208 = tpu.memref_slice %arg10[%add3A_206, %dma_start3A_207] : memref<512x64xf32, #tpu.memory_space<vmem>> -> memref<1x64xf32, #tpu.memory_space<vmem>>
      %dma_start3A_209 = arith.constant 0 : i32
      %dma_start3A_210 = tpu.memref_slice %arg2[%squeeze3A_202, %dma_start3A_209] : memref<1000000x64xf32, #tpu.memory_space<hbm>> -> memref<1x64xf32, #tpu.memory_space<hbm>>
      %dma_start3A_211 = arith.constant 0 : i32
      %dma_start3A_212 = tpu.memref_slice %arg10[%add3A_206, %dma_start3A_211] : memref<512x64xf32, #tpu.memory_space<vmem>> -> memref<1x64xf32, #tpu.memory_space<vmem>>
      %dma_start3A_213 = arith.constant 0 : i32
      %dma_start3A_214 = tpu.memref_slice %arg2[%squeeze3A_202, %dma_start3A_213] : memref<1000000x64xf32, #tpu.memory_space<hbm>> -> memref<1x64xf32, #tpu.memory_space<hbm>>
      tpu.enqueue_dma source(%dma_start3A_214 : memref<1x64xf32, #tpu.memory_space<hbm>>) target(%dma_start3A_212 : memref<1x64xf32, #tpu.memory_space<vmem>>) target_semaphore(%arg11 : memref<!tpu.dma_semaphore, #tpu.memory_space<semaphore_mem>>)
      %slice3A_215 = vector.extract_strided_slice %get3A_35 {offsets = [13], sizes = [1], strides = [1]} : vector<16xi32> to vector<1xi32>
      %squeeze3A_216 = vector.extract %slice3A_215[0] : i32 from vector<1xi32>
      %mul3A_217 = arith.constant 16 : i32
      %mul3A_218 = arith.muli %scan3A_30, %mul3A_217 : i32
      %add3A_219 = arith.constant 13 : i32
      %add3A_220 = arith.addi %mul3A_218, %add3A_219 : i32
      %dma_start3A_221 = arith.constant 0 : i32
      %dma_start3A_222 = tpu.memref_slice %arg10[%add3A_220, %dma_start3A_221] : memref<512x64xf32, #tpu.memory_space<vmem>> -> memref<1x64xf32, #tpu.memory_space<vmem>>
      %dma_start3A_223 = arith.constant 0 : i32
      %dma_start3A_224 = tpu.memref_slice %arg2[%squeeze3A_216, %dma_start3A_223] : memref<1000000x64xf32, #tpu.memory_space<hbm>> -> memref<1x64xf32, #tpu.memory_space<hbm>>
      %dma_start3A_225 = arith.constant 0 : i32
      %dma_start3A_226 = tpu.memref_slice %arg10[%add3A_220, %dma_start3A_225] : memref<512x64xf32, #tpu.memory_space<vmem>> -> memref<1x64xf32, #tpu.memory_space<vmem>>
      %dma_start3A_227 = arith.constant 0 : i32
      %dma_start3A_228 = tpu.memref_slice %arg2[%squeeze3A_216, %dma_start3A_227] : memref<1000000x64xf32, #tpu.memory_space<hbm>> -> memref<1x64xf32, #tpu.memory_space<hbm>>
      tpu.enqueue_dma source(%dma_start3A_228 : memref<1x64xf32, #tpu.memory_space<hbm>>) target(%dma_start3A_226 : memref<1x64xf32, #tpu.memory_space<vmem>>) target_semaphore(%arg11 : memref<!tpu.dma_semaphore, #tpu.memory_space<semaphore_mem>>)
      %slice3A_229 = vector.extract_strided_slice %get3A_35 {offsets = [14], sizes = [1], strides = [1]} : vector<16xi32> to vector<1xi32>
      %squeeze3A_230 = vector.extract %slice3A_229[0] : i32 from vector<1xi32>
      %mul3A_231 = arith.constant 16 : i32
      %mul3A_232 = arith.muli %scan3A_30, %mul3A_231 : i32
      %add3A_233 = arith.constant 14 : i32
      %add3A_234 = arith.addi %mul3A_232, %add3A_233 : i32
      %dma_start3A_235 = arith.constant 0 : i32
      %dma_start3A_236 = tpu.memref_slice %arg10[%add3A_234, %dma_start3A_235] : memref<512x64xf32, #tpu.memory_space<vmem>> -> memref<1x64xf32, #tpu.memory_space<vmem>>
      %dma_start3A_237 = arith.constant 0 : i32
      %dma_start3A_238 = tpu.memref_slice %arg2[%squeeze3A_230, %dma_start3A_237] : memref<1000000x64xf32, #tpu.memory_space<hbm>> -> memref<1x64xf32, #tpu.memory_space<hbm>>
      %dma_start3A_239 = arith.constant 0 : i32
      %dma_start3A_240 = tpu.memref_slice %arg10[%add3A_234, %dma_start3A_239] : memref<512x64xf32, #tpu.memory_space<vmem>> -> memref<1x64xf32, #tpu.memory_space<vmem>>
      %dma_start3A_241 = arith.constant 0 : i32
      %dma_start3A_242 = tpu.memref_slice %arg2[%squeeze3A_230, %dma_start3A_241] : memref<1000000x64xf32, #tpu.memory_space<hbm>> -> memref<1x64xf32, #tpu.memory_space<hbm>>
      tpu.enqueue_dma source(%dma_start3A_242 : memref<1x64xf32, #tpu.memory_space<hbm>>) target(%dma_start3A_240 : memref<1x64xf32, #tpu.memory_space<vmem>>) target_semaphore(%arg11 : memref<!tpu.dma_semaphore, #tpu.memory_space<semaphore_mem>>)
      %slice3A_243 = vector.extract_strided_slice %get3A_35 {offsets = [15], sizes = [1], strides = [1]} : vector<16xi32> to vector<1xi32>
      %squeeze3A_244 = vector.extract %slice3A_243[0] : i32 from vector<1xi32>
      %mul3A_245 = arith.constant 16 : i32
      %mul3A_246 = arith.muli %scan3A_30, %mul3A_245 : i32
      %add3A_247 = arith.constant 15 : i32
      %add3A_248 = arith.addi %mul3A_246, %add3A_247 : i32
      %dma_start3A_249 = arith.constant 0 : i32
      %dma_start3A_250 = tpu.memref_slice %arg10[%add3A_248, %dma_start3A_249] : memref<512x64xf32, #tpu.memory_space<vmem>> -> memref<1x64xf32, #tpu.memory_space<vmem>>
      %dma_start3A_251 = arith.constant 0 : i32
      %dma_start3A_252 = tpu.memref_slice %arg2[%squeeze3A_244, %dma_start3A_251] : memref<1000000x64xf32, #tpu.memory_space<hbm>> -> memref<1x64xf32, #tpu.memory_space<hbm>>
      %dma_start3A_253 = arith.constant 0 : i32
      %dma_start3A_254 = tpu.memref_slice %arg10[%add3A_248, %dma_start3A_253] : memref<512x64xf32, #tpu.memory_space<vmem>> -> memref<1x64xf32, #tpu.memory_space<vmem>>
      %dma_start3A_255 = arith.constant 0 : i32
      %dma_start3A_256 = tpu.memref_slice %arg2[%squeeze3A_244, %dma_start3A_255] : memref<1000000x64xf32, #tpu.memory_space<hbm>> -> memref<1x64xf32, #tpu.memory_space<hbm>>
      tpu.enqueue_dma source(%dma_start3A_256 : memref<1x64xf32, #tpu.memory_space<hbm>>) target(%dma_start3A_254 : memref<1x64xf32, #tpu.memory_space<vmem>>) target_semaphore(%arg11 : memref<!tpu.dma_semaphore, #tpu.memory_space<semaphore_mem>>)
      %scan3A_257 = arith.constant 0 : i32
      scf.yield %scan3A_257 : i32
    }
    %scan3A_8 = arith.constant 32 : i32
    %scan3A_9 = arith.constant 0 : i32
    %scan3A_10 = arith.constant 0 : i32
    %scan3A_11 = arith.constant 512 : i32
    %scan3A_12 = arith.addi %scan3A_10, %scan3A_11 : i32
    %scan3A_13 = arith.constant 1 : i32
    %scan3A_14 = scf.for %scan3A_30 = %scan3A_10 to %scan3A_12 step %scan3A_13 iter_args(%scan3A_31 = %scan3A_9) -> (i32)  : i32 {
      %dma_wait3A = arith.constant 0 : i32
      %dma_wait3A_32 = arith.constant 0 : i32
      %dma_wait3A_33 = tpu.memref_slice %arg10[%dma_wait3A, %dma_wait3A_32] : memref<512x64xf32, #tpu.memory_space<vmem>> -> memref<1x64xf32, #tpu.memory_space<vmem>>
      %dma_wait3A_34 = arith.constant 0 : i32
      %dma_wait3A_35 = arith.constant 0 : i32
      %dma_wait3A_36 = tpu.memref_slice %arg2[%dma_wait3A_34, %dma_wait3A_35] : memref<1000000x64xf32, #tpu.memory_space<hbm>> -> memref<1x64xf32, #tpu.memory_space<hbm>>
      %dma_wait3A_37 = arith.constant 0 : i32
      %dma_wait3A_38 = arith.constant 0 : i32
      %dma_wait3A_39 = tpu.memref_slice %arg10[%dma_wait3A_37, %dma_wait3A_38] : memref<512x64xf32, #tpu.memory_space<vmem>> -> memref<1x64xf32, #tpu.memory_space<vmem>>
      %dma_wait3A_40 = arith.constant 0 : i32
      %dma_wait3A_41 = arith.constant 0 : i32
      %dma_wait3A_42 = tpu.memref_slice %arg2[%dma_wait3A_40, %dma_wait3A_41] : memref<1000000x64xf32, #tpu.memory_space<hbm>> -> memref<1x64xf32, #tpu.memory_space<hbm>>
      tpu.wait_dma2 semaphore(%arg11 : memref<!tpu.dma_semaphore, #tpu.memory_space<semaphore_mem>>) src(%dma_wait3A_42 : memref<1x64xf32, #tpu.memory_space<hbm>>) dst(%dma_wait3A_39 : memref<1x64xf32, #tpu.memory_space<vmem>>)
      %scan3A_43 = arith.constant 0 : i32
      scf.yield %scan3A_43 : i32
    }
    %scan3A_15 = arith.constant 512 : i32
    "tpu.region"() ({
      %run_scoped3A = tpu.sem_alloc : memref<!tpu.dma_semaphore, #tpu.memory_space<semaphore_mem>>
      %dma_start3A = arith.constant 0 : i32
      %dma_start3A_30 = tpu.memref_slice %arg6[%mul3A_2, %dma_start3A] : memref<16384x64xf32, #tpu.memory_space<hbm>> -> memref<512x64xf32, #tpu.memory_space<hbm>>
      %dma_start3A_31 = arith.constant 0 : i32
      %dma_start3A_32 = tpu.memref_slice %arg6[%mul3A_2, %dma_start3A_31] : memref<16384x64xf32, #tpu.memory_space<hbm>> -> memref<512x64xf32, #tpu.memory_space<hbm>>
      tpu.enqueue_dma source(%arg10 : memref<512x64xf32, #tpu.memory_space<vmem>>) target(%dma_start3A_32 : memref<512x64xf32, #tpu.memory_space<hbm>>) target_semaphore(%run_scoped3A : memref<!tpu.dma_semaphore, #tpu.memory_space<semaphore_mem>>)
      %dma_wait3A = arith.constant 0 : i32
      %dma_wait3A_33 = tpu.memref_slice %arg6[%mul3A_2, %dma_wait3A] : memref<16384x64xf32, #tpu.memory_space<hbm>> -> memref<512x64xf32, #tpu.memory_space<hbm>>
      %dma_wait3A_34 = arith.constant 0 : i32
      %dma_wait3A_35 = tpu.memref_slice %arg6[%mul3A_2, %dma_wait3A_34] : memref<16384x64xf32, #tpu.memory_space<hbm>> -> memref<512x64xf32, #tpu.memory_space<hbm>>
      tpu.wait_dma2 semaphore(%run_scoped3A : memref<!tpu.dma_semaphore, #tpu.memory_space<semaphore_mem>>) src(%arg10 : memref<512x64xf32, #tpu.memory_space<vmem>>) dst(%dma_wait3A_35 : memref<512x64xf32, #tpu.memory_space<hbm>>)
      tpu.yield
    }) : () -> ()
    %scan3A_16 = arith.constant 0 : i32
    %scan3A_17 = arith.constant 0 : i32
    %scan3A_18 = arith.constant 32 : i32
    %scan3A_19 = arith.addi %scan3A_17, %scan3A_18 : i32
    %scan3A_20 = arith.constant 1 : i32
    %scan3A_21 = scf.for %scan3A_30 = %scan3A_17 to %scan3A_19 step %scan3A_20 iter_args(%scan3A_31 = %scan3A_16) -> (i32)  : i32 {
      %mul3A_32 = arith.constant 16 : i32
      %mul3A_33 = arith.muli %scan3A_30, %mul3A_32 : i32
      %get3A = arith.index_cast %mul3A_33 : i32 to index
      %get3A_34 = tpu.vector_load %arg9[%get3A] {strides = array<i32>} : memref<512xi32, #tpu.memory_space<vmem>>, vector<16xi32>,
      %get3A_35 = vector.shape_cast %get3A_34 : vector<16xi32> to vector<16xi32>
      %slice3A = vector.extract_strided_slice %get3A_35 {offsets = [0], sizes = [1], strides = [1]} : vector<16xi32> to vector<1xi32>
      %squeeze3A = vector.extract %slice3A[0] : i32 from vector<1xi32>
      %mul3A_36 = arith.constant 16 : i32
      %mul3A_37 = arith.muli %scan3A_30, %mul3A_36 : i32
      %add3A_38 = arith.constant 0 : i32
      %add3A_39 = arith.addi %mul3A_37, %add3A_38 : i32
      %dma_start3A = arith.constant 0 : i32
      %dma_start3A_40 = tpu.memref_slice %arg10[%add3A_39, %dma_start3A] : memref<512x64xf32, #tpu.memory_space<vmem>> -> memref<1x64xf32, #tpu.memory_space<vmem>>
      %dma_start3A_41 = arith.constant 0 : i32
      %dma_start3A_42 = tpu.memref_slice %arg4[%squeeze3A, %dma_start3A_41] : memref<1000000x64xf32, #tpu.memory_space<hbm>> -> memref<1x64xf32, #tpu.memory_space<hbm>>
      %dma_start3A_43 = arith.constant 0 : i32
      %dma_start3A_44 = tpu.memref_slice %arg10[%add3A_39, %dma_start3A_43] : memref<512x64xf32, #tpu.memory_space<vmem>> -> memref<1x64xf32, #tpu.memory_space<vmem>>
      %dma_start3A_45 = arith.constant 0 : i32
      %dma_start3A_46 = tpu.memref_slice %arg4[%squeeze3A, %dma_start3A_45] : memref<1000000x64xf32, #tpu.memory_space<hbm>> -> memref<1x64xf32, #tpu.memory_space<hbm>>
      tpu.enqueue_dma source(%dma_start3A_46 : memref<1x64xf32, #tpu.memory_space<hbm>>) target(%dma_start3A_44 : memref<1x64xf32, #tpu.memory_space<vmem>>) target_semaphore(%arg11 : memref<!tpu.dma_semaphore, #tpu.memory_space<semaphore_mem>>)
      %slice3A_47 = vector.extract_strided_slice %get3A_35 {offsets = [1], sizes = [1], strides = [1]} : vector<16xi32> to vector<1xi32>
      %squeeze3A_48 = vector.extract %slice3A_47[0] : i32 from vector<1xi32>
      %mul3A_49 = arith.constant 16 : i32
      %mul3A_50 = arith.muli %scan3A_30, %mul3A_49 : i32
      %add3A_51 = arith.constant 1 : i32
      %add3A_52 = arith.addi %mul3A_50, %add3A_51 : i32
      %dma_start3A_53 = arith.constant 0 : i32
      %dma_start3A_54 = tpu.memref_slice %arg10[%add3A_52, %dma_start3A_53] : memref<512x64xf32, #tpu.memory_space<vmem>> -> memref<1x64xf32, #tpu.memory_space<vmem>>
      %dma_start3A_55 = arith.constant 0 : i32
      %dma_start3A_56 = tpu.memref_slice %arg4[%squeeze3A_48, %dma_start3A_55] : memref<1000000x64xf32, #tpu.memory_space<hbm>> -> memref<1x64xf32, #tpu.memory_space<hbm>>
      %dma_start3A_57 = arith.constant 0 : i32
      %dma_start3A_58 = tpu.memref_slice %arg10[%add3A_52, %dma_start3A_57] : memref<512x64xf32, #tpu.memory_space<vmem>> -> memref<1x64xf32, #tpu.memory_space<vmem>>
      %dma_start3A_59 = arith.constant 0 : i32
      %dma_start3A_60 = tpu.memref_slice %arg4[%squeeze3A_48, %dma_start3A_59] : memref<1000000x64xf32, #tpu.memory_space<hbm>> -> memref<1x64xf32, #tpu.memory_space<hbm>>
      tpu.enqueue_dma source(%dma_start3A_60 : memref<1x64xf32, #tpu.memory_space<hbm>>) target(%dma_start3A_58 : memref<1x64xf32, #tpu.memory_space<vmem>>) target_semaphore(%arg11 : memref<!tpu.dma_semaphore, #tpu.memory_space<semaphore_mem>>)
      %slice3A_61 = vector.extract_strided_slice %get3A_35 {offsets = [2], sizes = [1], strides = [1]} : vector<16xi32> to vector<1xi32>
      %squeeze3A_62 = vector.extract %slice3A_61[0] : i32 from vector<1xi32>
      %mul3A_63 = arith.constant 16 : i32
      %mul3A_64 = arith.muli %scan3A_30, %mul3A_63 : i32
      %add3A_65 = arith.constant 2 : i32
      %add3A_66 = arith.addi %mul3A_64, %add3A_65 : i32
      %dma_start3A_67 = arith.constant 0 : i32
      %dma_start3A_68 = tpu.memref_slice %arg10[%add3A_66, %dma_start3A_67] : memref<512x64xf32, #tpu.memory_space<vmem>> -> memref<1x64xf32, #tpu.memory_space<vmem>>
      %dma_start3A_69 = arith.constant 0 : i32
      %dma_start3A_70 = tpu.memref_slice %arg4[%squeeze3A_62, %dma_start3A_69] : memref<1000000x64xf32, #tpu.memory_space<hbm>> -> memref<1x64xf32, #tpu.memory_space<hbm>>
      %dma_start3A_71 = arith.constant 0 : i32
      %dma_start3A_72 = tpu.memref_slice %arg10[%add3A_66, %dma_start3A_71] : memref<512x64xf32, #tpu.memory_space<vmem>> -> memref<1x64xf32, #tpu.memory_space<vmem>>
      %dma_start3A_73 = arith.constant 0 : i32
      %dma_start3A_74 = tpu.memref_slice %arg4[%squeeze3A_62, %dma_start3A_73] : memref<1000000x64xf32, #tpu.memory_space<hbm>> -> memref<1x64xf32, #tpu.memory_space<hbm>>
      tpu.enqueue_dma source(%dma_start3A_74 : memref<1x64xf32, #tpu.memory_space<hbm>>) target(%dma_start3A_72 : memref<1x64xf32, #tpu.memory_space<vmem>>) target_semaphore(%arg11 : memref<!tpu.dma_semaphore, #tpu.memory_space<semaphore_mem>>)
      %slice3A_75 = vector.extract_strided_slice %get3A_35 {offsets = [3], sizes = [1], strides = [1]} : vector<16xi32> to vector<1xi32>
      %squeeze3A_76 = vector.extract %slice3A_75[0] : i32 from vector<1xi32>
      %mul3A_77 = arith.constant 16 : i32
      %mul3A_78 = arith.muli %scan3A_30, %mul3A_77 : i32
      %add3A_79 = arith.constant 3 : i32
      %add3A_80 = arith.addi %mul3A_78, %add3A_79 : i32
      %dma_start3A_81 = arith.constant 0 : i32
      %dma_start3A_82 = tpu.memref_slice %arg10[%add3A_80, %dma_start3A_81] : memref<512x64xf32, #tpu.memory_space<vmem>> -> memref<1x64xf32, #tpu.memory_space<vmem>>
      %dma_start3A_83 = arith.constant 0 : i32
      %dma_start3A_84 = tpu.memref_slice %arg4[%squeeze3A_76, %dma_start3A_83] : memref<1000000x64xf32, #tpu.memory_space<hbm>> -> memref<1x64xf32, #tpu.memory_space<hbm>>
      %dma_start3A_85 = arith.constant 0 : i32
      %dma_start3A_86 = tpu.memref_slice %arg10[%add3A_80, %dma_start3A_85] : memref<512x64xf32, #tpu.memory_space<vmem>> -> memref<1x64xf32, #tpu.memory_space<vmem>>
      %dma_start3A_87 = arith.constant 0 : i32
      %dma_start3A_88 = tpu.memref_slice %arg4[%squeeze3A_76, %dma_start3A_87] : memref<1000000x64xf32, #tpu.memory_space<hbm>> -> memref<1x64xf32, #tpu.memory_space<hbm>>
      tpu.enqueue_dma source(%dma_start3A_88 : memref<1x64xf32, #tpu.memory_space<hbm>>) target(%dma_start3A_86 : memref<1x64xf32, #tpu.memory_space<vmem>>) target_semaphore(%arg11 : memref<!tpu.dma_semaphore, #tpu.memory_space<semaphore_mem>>)
      %slice3A_89 = vector.extract_strided_slice %get3A_35 {offsets = [4], sizes = [1], strides = [1]} : vector<16xi32> to vector<1xi32>
      %squeeze3A_90 = vector.extract %slice3A_89[0] : i32 from vector<1xi32>
      %mul3A_91 = arith.constant 16 : i32
      %mul3A_92 = arith.muli %scan3A_30, %mul3A_91 : i32
      %add3A_93 = arith.constant 4 : i32
      %add3A_94 = arith.addi %mul3A_92, %add3A_93 : i32
      %dma_start3A_95 = arith.constant 0 : i32
      %dma_start3A_96 = tpu.memref_slice %arg10[%add3A_94, %dma_start3A_95] : memref<512x64xf32, #tpu.memory_space<vmem>> -> memref<1x64xf32, #tpu.memory_space<vmem>>
      %dma_start3A_97 = arith.constant 0 : i32
      %dma_start3A_98 = tpu.memref_slice %arg4[%squeeze3A_90, %dma_start3A_97] : memref<1000000x64xf32, #tpu.memory_space<hbm>> -> memref<1x64xf32, #tpu.memory_space<hbm>>
      %dma_start3A_99 = arith.constant 0 : i32
      %dma_start3A_100 = tpu.memref_slice %arg10[%add3A_94, %dma_start3A_99] : memref<512x64xf32, #tpu.memory_space<vmem>> -> memref<1x64xf32, #tpu.memory_space<vmem>>
      %dma_start3A_101 = arith.constant 0 : i32
      %dma_start3A_102 = tpu.memref_slice %arg4[%squeeze3A_90, %dma_start3A_101] : memref<1000000x64xf32, #tpu.memory_space<hbm>> -> memref<1x64xf32, #tpu.memory_space<hbm>>
      tpu.enqueue_dma source(%dma_start3A_102 : memref<1x64xf32, #tpu.memory_space<hbm>>) target(%dma_start3A_100 : memref<1x64xf32, #tpu.memory_space<vmem>>) target_semaphore(%arg11 : memref<!tpu.dma_semaphore, #tpu.memory_space<semaphore_mem>>)
      %slice3A_103 = vector.extract_strided_slice %get3A_35 {offsets = [5], sizes = [1], strides = [1]} : vector<16xi32> to vector<1xi32>
      %squeeze3A_104 = vector.extract %slice3A_103[0] : i32 from vector<1xi32>
      %mul3A_105 = arith.constant 16 : i32
      %mul3A_106 = arith.muli %scan3A_30, %mul3A_105 : i32
      %add3A_107 = arith.constant 5 : i32
      %add3A_108 = arith.addi %mul3A_106, %add3A_107 : i32
      %dma_start3A_109 = arith.constant 0 : i32
      %dma_start3A_110 = tpu.memref_slice %arg10[%add3A_108, %dma_start3A_109] : memref<512x64xf32, #tpu.memory_space<vmem>> -> memref<1x64xf32, #tpu.memory_space<vmem>>
      %dma_start3A_111 = arith.constant 0 : i32
      %dma_start3A_112 = tpu.memref_slice %arg4[%squeeze3A_104, %dma_start3A_111] : memref<1000000x64xf32, #tpu.memory_space<hbm>> -> memref<1x64xf32, #tpu.memory_space<hbm>>
      %dma_start3A_113 = arith.constant 0 : i32
      %dma_start3A_114 = tpu.memref_slice %arg10[%add3A_108, %dma_start3A_113] : memref<512x64xf32, #tpu.memory_space<vmem>> -> memref<1x64xf32, #tpu.memory_space<vmem>>
      %dma_start3A_115 = arith.constant 0 : i32
      %dma_start3A_116 = tpu.memref_slice %arg4[%squeeze3A_104, %dma_start3A_115] : memref<1000000x64xf32, #tpu.memory_space<hbm>> -> memref<1x64xf32, #tpu.memory_space<hbm>>
      tpu.enqueue_dma source(%dma_start3A_116 : memref<1x64xf32, #tpu.memory_space<hbm>>) target(%dma_start3A_114 : memref<1x64xf32, #tpu.memory_space<vmem>>) target_semaphore(%arg11 : memref<!tpu.dma_semaphore, #tpu.memory_space<semaphore_mem>>)
      %slice3A_117 = vector.extract_strided_slice %get3A_35 {offsets = [6], sizes = [1], strides = [1]} : vector<16xi32> to vector<1xi32>
      %squeeze3A_118 = vector.extract %slice3A_117[0] : i32 from vector<1xi32>
      %mul3A_119 = arith.constant 16 : i32
      %mul3A_120 = arith.muli %scan3A_30, %mul3A_119 : i32
      %add3A_121 = arith.constant 6 : i32
      %add3A_122 = arith.addi %mul3A_120, %add3A_121 : i32
      %dma_start3A_123 = arith.constant 0 : i32
      %dma_start3A_124 = tpu.memref_slice %arg10[%add3A_122, %dma_start3A_123] : memref<512x64xf32, #tpu.memory_space<vmem>> -> memref<1x64xf32, #tpu.memory_space<vmem>>
      %dma_start3A_125 = arith.constant 0 : i32
      %dma_start3A_126 = tpu.memref_slice %arg4[%squeeze3A_118, %dma_start3A_125] : memref<1000000x64xf32, #tpu.memory_space<hbm>> -> memref<1x64xf32, #tpu.memory_space<hbm>>
      %dma_start3A_127 = arith.constant 0 : i32
      %dma_start3A_128 = tpu.memref_slice %arg10[%add3A_122, %dma_start3A_127] : memref<512x64xf32, #tpu.memory_space<vmem>> -> memref<1x64xf32, #tpu.memory_space<vmem>>
      %dma_start3A_129 = arith.constant 0 : i32
      %dma_start3A_130 = tpu.memref_slice %arg4[%squeeze3A_118, %dma_start3A_129] : memref<1000000x64xf32, #tpu.memory_space<hbm>> -> memref<1x64xf32, #tpu.memory_space<hbm>>
      tpu.enqueue_dma source(%dma_start3A_130 : memref<1x64xf32, #tpu.memory_space<hbm>>) target(%dma_start3A_128 : memref<1x64xf32, #tpu.memory_space<vmem>>) target_semaphore(%arg11 : memref<!tpu.dma_semaphore, #tpu.memory_space<semaphore_mem>>)
      %slice3A_131 = vector.extract_strided_slice %get3A_35 {offsets = [7], sizes = [1], strides = [1]} : vector<16xi32> to vector<1xi32>
      %squeeze3A_132 = vector.extract %slice3A_131[0] : i32 from vector<1xi32>
      %mul3A_133 = arith.constant 16 : i32
      %mul3A_134 = arith.muli %scan3A_30, %mul3A_133 : i32
      %add3A_135 = arith.constant 7 : i32
      %add3A_136 = arith.addi %mul3A_134, %add3A_135 : i32
      %dma_start3A_137 = arith.constant 0 : i32
      %dma_start3A_138 = tpu.memref_slice %arg10[%add3A_136, %dma_start3A_137] : memref<512x64xf32, #tpu.memory_space<vmem>> -> memref<1x64xf32, #tpu.memory_space<vmem>>
      %dma_start3A_139 = arith.constant 0 : i32
      %dma_start3A_140 = tpu.memref_slice %arg4[%squeeze3A_132, %dma_start3A_139] : memref<1000000x64xf32, #tpu.memory_space<hbm>> -> memref<1x64xf32, #tpu.memory_space<hbm>>
      %dma_start3A_141 = arith.constant 0 : i32
      %dma_start3A_142 = tpu.memref_slice %arg10[%add3A_136, %dma_start3A_141] : memref<512x64xf32, #tpu.memory_space<vmem>> -> memref<1x64xf32, #tpu.memory_space<vmem>>
      %dma_start3A_143 = arith.constant 0 : i32
      %dma_start3A_144 = tpu.memref_slice %arg4[%squeeze3A_132, %dma_start3A_143] : memref<1000000x64xf32, #tpu.memory_space<hbm>> -> memref<1x64xf32, #tpu.memory_space<hbm>>
      tpu.enqueue_dma source(%dma_start3A_144 : memref<1x64xf32, #tpu.memory_space<hbm>>) target(%dma_start3A_142 : memref<1x64xf32, #tpu.memory_space<vmem>>) target_semaphore(%arg11 : memref<!tpu.dma_semaphore, #tpu.memory_space<semaphore_mem>>)
      %slice3A_145 = vector.extract_strided_slice %get3A_35 {offsets = [8], sizes = [1], strides = [1]} : vector<16xi32> to vector<1xi32>
      %squeeze3A_146 = vector.extract %slice3A_145[0] : i32 from vector<1xi32>
      %mul3A_147 = arith.constant 16 : i32
      %mul3A_148 = arith.muli %scan3A_30, %mul3A_147 : i32
      %add3A_149 = arith.constant 8 : i32
      %add3A_150 = arith.addi %mul3A_148, %add3A_149 : i32
      %dma_start3A_151 = arith.constant 0 : i32
      %dma_start3A_152 = tpu.memref_slice %arg10[%add3A_150, %dma_start3A_151] : memref<512x64xf32, #tpu.memory_space<vmem>> -> memref<1x64xf32, #tpu.memory_space<vmem>>
      %dma_start3A_153 = arith.constant 0 : i32
      %dma_start3A_154 = tpu.memref_slice %arg4[%squeeze3A_146, %dma_start3A_153] : memref<1000000x64xf32, #tpu.memory_space<hbm>> -> memref<1x64xf32, #tpu.memory_space<hbm>>
      %dma_start3A_155 = arith.constant 0 : i32
      %dma_start3A_156 = tpu.memref_slice %arg10[%add3A_150, %dma_start3A_155] : memref<512x64xf32, #tpu.memory_space<vmem>> -> memref<1x64xf32, #tpu.memory_space<vmem>>
      %dma_start3A_157 = arith.constant 0 : i32
      %dma_start3A_158 = tpu.memref_slice %arg4[%squeeze3A_146, %dma_start3A_157] : memref<1000000x64xf32, #tpu.memory_space<hbm>> -> memref<1x64xf32, #tpu.memory_space<hbm>>
      tpu.enqueue_dma source(%dma_start3A_158 : memref<1x64xf32, #tpu.memory_space<hbm>>) target(%dma_start3A_156 : memref<1x64xf32, #tpu.memory_space<vmem>>) target_semaphore(%arg11 : memref<!tpu.dma_semaphore, #tpu.memory_space<semaphore_mem>>)
      %slice3A_159 = vector.extract_strided_slice %get3A_35 {offsets = [9], sizes = [1], strides = [1]} : vector<16xi32> to vector<1xi32>
      %squeeze3A_160 = vector.extract %slice3A_159[0] : i32 from vector<1xi32>
      %mul3A_161 = arith.constant 16 : i32
      %mul3A_162 = arith.muli %scan3A_30, %mul3A_161 : i32
      %add3A_163 = arith.constant 9 : i32
      %add3A_164 = arith.addi %mul3A_162, %add3A_163 : i32
      %dma_start3A_165 = arith.constant 0 : i32
      %dma_start3A_166 = tpu.memref_slice %arg10[%add3A_164, %dma_start3A_165] : memref<512x64xf32, #tpu.memory_space<vmem>> -> memref<1x64xf32, #tpu.memory_space<vmem>>
      %dma_start3A_167 = arith.constant 0 : i32
      %dma_start3A_168 = tpu.memref_slice %arg4[%squeeze3A_160, %dma_start3A_167] : memref<1000000x64xf32, #tpu.memory_space<hbm>> -> memref<1x64xf32, #tpu.memory_space<hbm>>
      %dma_start3A_169 = arith.constant 0 : i32
      %dma_start3A_170 = tpu.memref_slice %arg10[%add3A_164, %dma_start3A_169] : memref<512x64xf32, #tpu.memory_space<vmem>> -> memref<1x64xf32, #tpu.memory_space<vmem>>
      %dma_start3A_171 = arith.constant 0 : i32
      %dma_start3A_172 = tpu.memref_slice %arg4[%squeeze3A_160, %dma_start3A_171] : memref<1000000x64xf32, #tpu.memory_space<hbm>> -> memref<1x64xf32, #tpu.memory_space<hbm>>
      tpu.enqueue_dma source(%dma_start3A_172 : memref<1x64xf32, #tpu.memory_space<hbm>>) target(%dma_start3A_170 : memref<1x64xf32, #tpu.memory_space<vmem>>) target_semaphore(%arg11 : memref<!tpu.dma_semaphore, #tpu.memory_space<semaphore_mem>>)
      %slice3A_173 = vector.extract_strided_slice %get3A_35 {offsets = [10], sizes = [1], strides = [1]} : vector<16xi32> to vector<1xi32>
      %squeeze3A_174 = vector.extract %slice3A_173[0] : i32 from vector<1xi32>
      %mul3A_175 = arith.constant 16 : i32
      %mul3A_176 = arith.muli %scan3A_30, %mul3A_175 : i32
      %add3A_177 = arith.constant 10 : i32
      %add3A_178 = arith.addi %mul3A_176, %add3A_177 : i32
      %dma_start3A_179 = arith.constant 0 : i32
      %dma_start3A_180 = tpu.memref_slice %arg10[%add3A_178, %dma_start3A_179] : memref<512x64xf32, #tpu.memory_space<vmem>> -> memref<1x64xf32, #tpu.memory_space<vmem>>
      %dma_start3A_181 = arith.constant 0 : i32
      %dma_start3A_182 = tpu.memref_slice %arg4[%squeeze3A_174, %dma_start3A_181] : memref<1000000x64xf32, #tpu.memory_space<hbm>> -> memref<1x64xf32, #tpu.memory_space<hbm>>
      %dma_start3A_183 = arith.constant 0 : i32
      %dma_start3A_184 = tpu.memref_slice %arg10[%add3A_178, %dma_start3A_183] : memref<512x64xf32, #tpu.memory_space<vmem>> -> memref<1x64xf32, #tpu.memory_space<vmem>>
      %dma_start3A_185 = arith.constant 0 : i32
      %dma_start3A_186 = tpu.memref_slice %arg4[%squeeze3A_174, %dma_start3A_185] : memref<1000000x64xf32, #tpu.memory_space<hbm>> -> memref<1x64xf32, #tpu.memory_space<hbm>>
      tpu.enqueue_dma source(%dma_start3A_186 : memref<1x64xf32, #tpu.memory_space<hbm>>) target(%dma_start3A_184 : memref<1x64xf32, #tpu.memory_space<vmem>>) target_semaphore(%arg11 : memref<!tpu.dma_semaphore, #tpu.memory_space<semaphore_mem>>)
      %slice3A_187 = vector.extract_strided_slice %get3A_35 {offsets = [11], sizes = [1], strides = [1]} : vector<16xi32> to vector<1xi32>
      %squeeze3A_188 = vector.extract %slice3A_187[0] : i32 from vector<1xi32>
      %mul3A_189 = arith.constant 16 : i32
      %mul3A_190 = arith.muli %scan3A_30, %mul3A_189 : i32
      %add3A_191 = arith.constant 11 : i32
      %add3A_192 = arith.addi %mul3A_190, %add3A_191 : i32
      %dma_start3A_193 = arith.constant 0 : i32
      %dma_start3A_194 = tpu.memref_slice %arg10[%add3A_192, %dma_start3A_193] : memref<512x64xf32, #tpu.memory_space<vmem>> -> memref<1x64xf32, #tpu.memory_space<vmem>>
      %dma_start3A_195 = arith.constant 0 : i32
      %dma_start3A_196 = tpu.memref_slice %arg4[%squeeze3A_188, %dma_start3A_195] : memref<1000000x64xf32, #tpu.memory_space<hbm>> -> memref<1x64xf32, #tpu.memory_space<hbm>>
      %dma_start3A_197 = arith.constant 0 : i32
      %dma_start3A_198 = tpu.memref_slice %arg10[%add3A_192, %dma_start3A_197] : memref<512x64xf32, #tpu.memory_space<vmem>> -> memref<1x64xf32, #tpu.memory_space<vmem>>
      %dma_start3A_199 = arith.constant 0 : i32
      %dma_start3A_200 = tpu.memref_slice %arg4[%squeeze3A_188, %dma_start3A_199] : memref<1000000x64xf32, #tpu.memory_space<hbm>> -> memref<1x64xf32, #tpu.memory_space<hbm>>
      tpu.enqueue_dma source(%dma_start3A_200 : memref<1x64xf32, #tpu.memory_space<hbm>>) target(%dma_start3A_198 : memref<1x64xf32, #tpu.memory_space<vmem>>) target_semaphore(%arg11 : memref<!tpu.dma_semaphore, #tpu.memory_space<semaphore_mem>>)
      %slice3A_201 = vector.extract_strided_slice %get3A_35 {offsets = [12], sizes = [1], strides = [1]} : vector<16xi32> to vector<1xi32>
      %squeeze3A_202 = vector.extract %slice3A_201[0] : i32 from vector<1xi32>
      %mul3A_203 = arith.constant 16 : i32
      %mul3A_204 = arith.muli %scan3A_30, %mul3A_203 : i32
      %add3A_205 = arith.constant 12 : i32
      %add3A_206 = arith.addi %mul3A_204, %add3A_205 : i32
      %dma_start3A_207 = arith.constant 0 : i32
      %dma_start3A_208 = tpu.memref_slice %arg10[%add3A_206, %dma_start3A_207] : memref<512x64xf32, #tpu.memory_space<vmem>> -> memref<1x64xf32, #tpu.memory_space<vmem>>
      %dma_start3A_209 = arith.constant 0 : i32
      %dma_start3A_210 = tpu.memref_slice %arg4[%squeeze3A_202, %dma_start3A_209] : memref<1000000x64xf32, #tpu.memory_space<hbm>> -> memref<1x64xf32, #tpu.memory_space<hbm>>
      %dma_start3A_211 = arith.constant 0 : i32
      %dma_start3A_212 = tpu.memref_slice %arg10[%add3A_206, %dma_start3A_211] : memref<512x64xf32, #tpu.memory_space<vmem>> -> memref<1x64xf32, #tpu.memory_space<vmem>>
      %dma_start3A_213 = arith.constant 0 : i32
      %dma_start3A_214 = tpu.memref_slice %arg4[%squeeze3A_202, %dma_start3A_213] : memref<1000000x64xf32, #tpu.memory_space<hbm>> -> memref<1x64xf32, #tpu.memory_space<hbm>>
      tpu.enqueue_dma source(%dma_start3A_214 : memref<1x64xf32, #tpu.memory_space<hbm>>) target(%dma_start3A_212 : memref<1x64xf32, #tpu.memory_space<vmem>>) target_semaphore(%arg11 : memref<!tpu.dma_semaphore, #tpu.memory_space<semaphore_mem>>)
      %slice3A_215 = vector.extract_strided_slice %get3A_35 {offsets = [13], sizes = [1], strides = [1]} : vector<16xi32> to vector<1xi32>
      %squeeze3A_216 = vector.extract %slice3A_215[0] : i32 from vector<1xi32>
      %mul3A_217 = arith.constant 16 : i32
      %mul3A_218 = arith.muli %scan3A_30, %mul3A_217 : i32
      %add3A_219 = arith.constant 13 : i32
      %add3A_220 = arith.addi %mul3A_218, %add3A_219 : i32
      %dma_start3A_221 = arith.constant 0 : i32
      %dma_start3A_222 = tpu.memref_slice %arg10[%add3A_220, %dma_start3A_221] : memref<512x64xf32, #tpu.memory_space<vmem>> -> memref<1x64xf32, #tpu.memory_space<vmem>>
      %dma_start3A_223 = arith.constant 0 : i32
      %dma_start3A_224 = tpu.memref_slice %arg4[%squeeze3A_216, %dma_start3A_223] : memref<1000000x64xf32, #tpu.memory_space<hbm>> -> memref<1x64xf32, #tpu.memory_space<hbm>>
      %dma_start3A_225 = arith.constant 0 : i32
      %dma_start3A_226 = tpu.memref_slice %arg10[%add3A_220, %dma_start3A_225] : memref<512x64xf32, #tpu.memory_space<vmem>> -> memref<1x64xf32, #tpu.memory_space<vmem>>
      %dma_start3A_227 = arith.constant 0 : i32
      %dma_start3A_228 = tpu.memref_slice %arg4[%squeeze3A_216, %dma_start3A_227] : memref<1000000x64xf32, #tpu.memory_space<hbm>> -> memref<1x64xf32, #tpu.memory_space<hbm>>
      tpu.enqueue_dma source(%dma_start3A_228 : memref<1x64xf32, #tpu.memory_space<hbm>>) target(%dma_start3A_226 : memref<1x64xf32, #tpu.memory_space<vmem>>) target_semaphore(%arg11 : memref<!tpu.dma_semaphore, #tpu.memory_space<semaphore_mem>>)
      %slice3A_229 = vector.extract_strided_slice %get3A_35 {offsets = [14], sizes = [1], strides = [1]} : vector<16xi32> to vector<1xi32>
      %squeeze3A_230 = vector.extract %slice3A_229[0] : i32 from vector<1xi32>
      %mul3A_231 = arith.constant 16 : i32
      %mul3A_232 = arith.muli %scan3A_30, %mul3A_231 : i32
      %add3A_233 = arith.constant 14 : i32
      %add3A_234 = arith.addi %mul3A_232, %add3A_233 : i32
      %dma_start3A_235 = arith.constant 0 : i32
      %dma_start3A_236 = tpu.memref_slice %arg10[%add3A_234, %dma_start3A_235] : memref<512x64xf32, #tpu.memory_space<vmem>> -> memref<1x64xf32, #tpu.memory_space<vmem>>
      %dma_start3A_237 = arith.constant 0 : i32
      %dma_start3A_238 = tpu.memref_slice %arg4[%squeeze3A_230, %dma_start3A_237] : memref<1000000x64xf32, #tpu.memory_space<hbm>> -> memref<1x64xf32, #tpu.memory_space<hbm>>
      %dma_start3A_239 = arith.constant 0 : i32
      %dma_start3A_240 = tpu.memref_slice %arg10[%add3A_234, %dma_start3A_239] : memref<512x64xf32, #tpu.memory_space<vmem>> -> memref<1x64xf32, #tpu.memory_space<vmem>>
      %dma_start3A_241 = arith.constant 0 : i32
      %dma_start3A_242 = tpu.memref_slice %arg4[%squeeze3A_230, %dma_start3A_241] : memref<1000000x64xf32, #tpu.memory_space<hbm>> -> memref<1x64xf32, #tpu.memory_space<hbm>>
      tpu.enqueue_dma source(%dma_start3A_242 : memref<1x64xf32, #tpu.memory_space<hbm>>) target(%dma_start3A_240 : memref<1x64xf32, #tpu.memory_space<vmem>>) target_semaphore(%arg11 : memref<!tpu.dma_semaphore, #tpu.memory_space<semaphore_mem>>)
      %slice3A_243 = vector.extract_strided_slice %get3A_35 {offsets = [15], sizes = [1], strides = [1]} : vector<16xi32> to vector<1xi32>
      %squeeze3A_244 = vector.extract %slice3A_243[0] : i32 from vector<1xi32>
      %mul3A_245 = arith.constant 16 : i32
      %mul3A_246 = arith.muli %scan3A_30, %mul3A_245 : i32
      %add3A_247 = arith.constant 15 : i32
      %add3A_248 = arith.addi %mul3A_246, %add3A_247 : i32
      %dma_start3A_249 = arith.constant 0 : i32
      %dma_start3A_250 = tpu.memref_slice %arg10[%add3A_248, %dma_start3A_249] : memref<512x64xf32, #tpu.memory_space<vmem>> -> memref<1x64xf32, #tpu.memory_space<vmem>>
      %dma_start3A_251 = arith.constant 0 : i32
      %dma_start3A_252 = tpu.memref_slice %arg4[%squeeze3A_244, %dma_start3A_251] : memref<1000000x64xf32, #tpu.memory_space<hbm>> -> memref<1x64xf32, #tpu.memory_space<hbm>>
      %dma_start3A_253 = arith.constant 0 : i32
      %dma_start3A_254 = tpu.memref_slice %arg10[%add3A_248, %dma_start3A_253] : memref<512x64xf32, #tpu.memory_space<vmem>> -> memref<1x64xf32, #tpu.memory_space<vmem>>
      %dma_start3A_255 = arith.constant 0 : i32
      %dma_start3A_256 = tpu.memref_slice %arg4[%squeeze3A_244, %dma_start3A_255] : memref<1000000x64xf32, #tpu.memory_space<hbm>> -> memref<1x64xf32, #tpu.memory_space<hbm>>
      tpu.enqueue_dma source(%dma_start3A_256 : memref<1x64xf32, #tpu.memory_space<hbm>>) target(%dma_start3A_254 : memref<1x64xf32, #tpu.memory_space<vmem>>) target_semaphore(%arg11 : memref<!tpu.dma_semaphore, #tpu.memory_space<semaphore_mem>>)
      %scan3A_257 = arith.constant 0 : i32
      scf.yield %scan3A_257 : i32
    }
    %scan3A_22 = arith.constant 32 : i32
    %scan3A_23 = arith.constant 0 : i32
    %scan3A_24 = arith.constant 0 : i32
    %scan3A_25 = arith.constant 512 : i32
    %scan3A_26 = arith.addi %scan3A_24, %scan3A_25 : i32
    %scan3A_27 = arith.constant 1 : i32
    %scan3A_28 = scf.for %scan3A_30 = %scan3A_24 to %scan3A_26 step %scan3A_27 iter_args(%scan3A_31 = %scan3A_23) -> (i32)  : i32 {
      %dma_wait3A = arith.constant 0 : i32
      %dma_wait3A_32 = arith.constant 0 : i32
      %dma_wait3A_33 = tpu.memref_slice %arg10[%dma_wait3A, %dma_wait3A_32] : memref<512x64xf32, #tpu.memory_space<vmem>> -> memref<1x64xf32, #tpu.memory_space<vmem>>
      %dma_wait3A_34 = arith.constant 0 : i32
      %dma_wait3A_35 = arith.constant 0 : i32
      %dma_wait3A_36 = tpu.memref_slice %arg4[%dma_wait3A_34, %dma_wait3A_35] : memref<1000000x64xf32, #tpu.memory_space<hbm>> -> memref<1x64xf32, #tpu.memory_space<hbm>>
      %dma_wait3A_37 = arith.constant 0 : i32
      %dma_wait3A_38 = arith.constant 0 : i32
      %dma_wait3A_39 = tpu.memref_slice %arg10[%dma_wait3A_37, %dma_wait3A_38] : memref<512x64xf32, #tpu.memory_space<vmem>> -> memref<1x64xf32, #tpu.memory_space<vmem>>
      %dma_wait3A_40 = arith.constant 0 : i32
      %dma_wait3A_41 = arith.constant 0 : i32
      %dma_wait3A_42 = tpu.memref_slice %arg4[%dma_wait3A_40, %dma_wait3A_41] : memref<1000000x64xf32, #tpu.memory_space<hbm>> -> memref<1x64xf32, #tpu.memory_space<hbm>>
      tpu.wait_dma2 semaphore(%arg11 : memref<!tpu.dma_semaphore, #tpu.memory_space<semaphore_mem>>) src(%dma_wait3A_42 : memref<1x64xf32, #tpu.memory_space<hbm>>) dst(%dma_wait3A_39 : memref<1x64xf32, #tpu.memory_space<vmem>>)
      %scan3A_43 = arith.constant 0 : i32
      scf.yield %scan3A_43 : i32
    }
    %scan3A_29 = arith.constant 512 : i32
    "tpu.region"() ({
      %run_scoped3A = tpu.sem_alloc : memref<!tpu.dma_semaphore, #tpu.memory_space<semaphore_mem>>
      %dma_start3A = arith.constant 0 : i32
      %dma_start3A_30 = tpu.memref_slice %arg7[%mul3A_2, %dma_start3A] : memref<16384x64xf32, #tpu.memory_space<hbm>> -> memref<512x64xf32, #tpu.memory_space<hbm>>
      %dma_start3A_31 = arith.constant 0 : i32
      %dma_start3A_32 = tpu.memref_slice %arg7[%mul3A_2, %dma_start3A_31] : memref<16384x64xf32, #tpu.memory_space<hbm>> -> memref<512x64xf32, #tpu.memory_space<hbm>>
      tpu.enqueue_dma source(%arg10 : memref<512x64xf32, #tpu.memory_space<vmem>>) target(%dma_start3A_32 : memref<512x64xf32, #tpu.memory_space<hbm>>) target_semaphore(%run_scoped3A : memref<!tpu.dma_semaphore, #tpu.memory_space<semaphore_mem>>)
      %dma_wait3A = arith.constant 0 : i32
      %dma_wait3A_33 = tpu.memref_slice %arg7[%mul3A_2, %dma_wait3A] : memref<16384x64xf32, #tpu.memory_space<hbm>> -> memref<512x64xf32, #tpu.memory_space<hbm>>
      %dma_wait3A_34 = arith.constant 0 : i32
      %dma_wait3A_35 = tpu.memref_slice %arg7[%mul3A_2, %dma_wait3A_34] : memref<16384x64xf32, #tpu.memory_space<hbm>> -> memref<512x64xf32, #tpu.memory_space<hbm>>
      tpu.wait_dma2 semaphore(%run_scoped3A : memref<!tpu.dma_semaphore, #tpu.memory_space<semaphore_mem>>) src(%arg10 : memref<512x64xf32, #tpu.memory_space<vmem>>) dst(%dma_wait3A_35 : memref<512x64xf32, #tpu.memory_space<hbm>>)
      tpu.yield
    }) : () -> ()
    return
  }
}

module attributes {stable_mosaic.version = 14 : i64} {
  func.func @_mlp_body(%arg0: i32, %arg1: memref<2048x64xf32, #tpu.memory_space<vmem>>, %arg2: memref<2048x64xf32, #tpu.memory_space<vmem>>, %arg3: memref<64x128xf32, #tpu.memory_space<vmem>>, %arg4: memref<64x128xf32, #tpu.memory_space<vmem>>, %arg5: memref<1x128xf32, #tpu.memory_space<vmem>>, %arg6: memref<128x64xf32, #tpu.memory_space<vmem>>, %arg7: memref<1x64xf32, #tpu.memory_space<vmem>>, %arg8: memref<64x32xf32, #tpu.memory_space<vmem>>, %arg9: memref<1x32xf32, #tpu.memory_space<vmem>>, %arg10: memref<32x1xf32, #tpu.memory_space<vmem>>, %arg11: memref<1x1xf32, #tpu.memory_space<vmem>>, %arg12: memref<2048x1xf32, #tpu.memory_space<vmem>>) attributes {dimension_semantics = [#tpu.dimension_semantics<arbitrary>], iteration_bounds = array<i64: 8>, scalar_prefetch = 0 : i64, scratch_operands = 0 : i64, tpu.core_type = #tpu.core_type<tc>, window_params = [{transform_indices = @transform_0, window_bounds = array<i64: 2048, 64>}, {transform_indices = @transform_1, window_bounds = array<i64: 2048, 64>}, {pipeline_mode = #tpu.pipeline_mode<synchronous>, transform_indices = @transform_2, window_bounds = array<i64: 64, 128>}, {pipeline_mode = #tpu.pipeline_mode<synchronous>, transform_indices = @transform_3, window_bounds = array<i64: 64, 128>}, {pipeline_mode = #tpu.pipeline_mode<synchronous>, transform_indices = @transform_4, window_bounds = array<i64: 1, 128>}, {pipeline_mode = #tpu.pipeline_mode<synchronous>, transform_indices = @transform_5, window_bounds = array<i64: 128, 64>}, {pipeline_mode = #tpu.pipeline_mode<synchronous>, transform_indices = @transform_6, window_bounds = array<i64: 1, 64>}, {pipeline_mode = #tpu.pipeline_mode<synchronous>, transform_indices = @transform_7, window_bounds = array<i64: 64, 32>}, {pipeline_mode = #tpu.pipeline_mode<synchronous>, transform_indices = @transform_8, window_bounds = array<i64: 1, 32>}, {pipeline_mode = #tpu.pipeline_mode<synchronous>, transform_indices = @transform_9, window_bounds = array<i64: 32, 1>}, {pipeline_mode = #tpu.pipeline_mode<synchronous>, transform_indices = @transform_10, window_bounds = array<i64: 1, 1>}, {transform_indices = @transform_11, window_bounds = array<i64: 2048, 1>}]} {
    %get3A = arith.constant 0 : index
    %get3A_0 = arith.constant 0 : index
    %get3A_1 = vector.load %arg1[%get3A, %get3A_0] : memref<2048x64xf32, #tpu.memory_space<vmem>>, vector<2048x64xf32>
    %get3A_2 = arith.constant 0 : index
    %get3A_3 = arith.constant 0 : index
    %get3A_4 = vector.load %arg3[%get3A_2, %get3A_3] : memref<64x128xf32, #tpu.memory_space<vmem>>, vector<64x128xf32>
    %dot_general3A = arith.constant dense<0.000000e+00> : vector<2048x128xf32>
    %dot_general3A_5 = tpu.matmul %get3A_1, %get3A_4, %dot_general3A {dimension_numbers = #tpu.dot_dimension_numbers<[1], [0], [0], [1], [0, 0, 1, 1], [], []>, transpose_lhs_hint = false} : vector<2048x64xf32>, vector<64x128xf32>, vector<2048x128xf32> -> vector<2048x128xf32>
    %get3A_6 = arith.constant 0 : index
    %get3A_7 = arith.constant 0 : index
    %get3A_8 = vector.load %arg2[%get3A_6, %get3A_7] : memref<2048x64xf32, #tpu.memory_space<vmem>>, vector<2048x64xf32>
    %get3A_9 = arith.constant 0 : index
    %get3A_10 = arith.constant 0 : index
    %get3A_11 = vector.load %arg4[%get3A_9, %get3A_10] : memref<64x128xf32, #tpu.memory_space<vmem>>, vector<64x128xf32>
    %dot_general3A_12 = arith.constant dense<0.000000e+00> : vector<2048x128xf32>
    %dot_general3A_13 = tpu.matmul %get3A_8, %get3A_11, %dot_general3A_12 {dimension_numbers = #tpu.dot_dimension_numbers<[1], [0], [0], [1], [0, 0, 1, 1], [], []>, transpose_lhs_hint = false} : vector<2048x64xf32>, vector<64x128xf32>, vector<2048x128xf32> -> vector<2048x128xf32>
    %add3A = arith.addf %dot_general3A_5, %dot_general3A_13 : vector<2048x128xf32>
    %get3A_14 = arith.constant 0 : index
    %get3A_15 = arith.constant 0 : index
    %get3A_16 = vector.load %arg5[%get3A_14, %get3A_15] : memref<1x128xf32, #tpu.memory_space<vmem>>, vector<1x128xf32>
    %add3A_17 = vector.broadcast %get3A_16 : vector<1x128xf32> to vector<2048x128xf32>
    %add3A_18 = arith.addf %add3A, %add3A_17 : vector<2048x128xf32>
    %max3A = arith.constant 0.000000e+00 : f32
    %max3A_19 = vector.broadcast %max3A : f32 to vector<2048x128xf32>
    %max3A_20 = arith.maximumf %add3A_18, %max3A_19 : vector<2048x128xf32>
    %get3A_21 = arith.constant 0 : index
    %get3A_22 = arith.constant 0 : index
    %get3A_23 = vector.load %arg6[%get3A_21, %get3A_22] : memref<128x64xf32, #tpu.memory_space<vmem>>, vector<128x64xf32>
    %dot_general3A_24 = arith.constant dense<0.000000e+00> : vector<2048x64xf32>
    %dot_general3A_25 = tpu.matmul %max3A_20, %get3A_23, %dot_general3A_24 {dimension_numbers = #tpu.dot_dimension_numbers<[1], [0], [0], [1], [0, 0, 1, 1], [], []>, transpose_lhs_hint = false} : vector<2048x128xf32>, vector<128x64xf32>, vector<2048x64xf32> -> vector<2048x64xf32>
    %get3A_26 = arith.constant 0 : index
    %get3A_27 = arith.constant 0 : index
    %get3A_28 = vector.load %arg7[%get3A_26, %get3A_27] : memref<1x64xf32, #tpu.memory_space<vmem>>, vector<1x64xf32>
    %add3A_29 = vector.broadcast %get3A_28 : vector<1x64xf32> to vector<2048x64xf32>
    %add3A_30 = arith.addf %dot_general3A_25, %add3A_29 : vector<2048x64xf32>
    %max3A_31 = arith.constant 0.000000e+00 : f32
    %max3A_32 = vector.broadcast %max3A_31 : f32 to vector<2048x64xf32>
    %max3A_33 = arith.maximumf %add3A_30, %max3A_32 : vector<2048x64xf32>
    %get3A_34 = arith.constant 0 : index
    %get3A_35 = arith.constant 0 : index
    %get3A_36 = vector.load %arg8[%get3A_34, %get3A_35] : memref<64x32xf32, #tpu.memory_space<vmem>>, vector<64x32xf32>
    %dot_general3A_37 = arith.constant dense<0.000000e+00> : vector<2048x32xf32>
    %dot_general3A_38 = tpu.matmul %max3A_33, %get3A_36, %dot_general3A_37 {dimension_numbers = #tpu.dot_dimension_numbers<[1], [0], [0], [1], [0, 0, 1, 1], [], []>, transpose_lhs_hint = false} : vector<2048x64xf32>, vector<64x32xf32>, vector<2048x32xf32> -> vector<2048x32xf32>
    %get3A_39 = arith.constant 0 : index
    %get3A_40 = arith.constant 0 : index
    %get3A_41 = vector.load %arg9[%get3A_39, %get3A_40] : memref<1x32xf32, #tpu.memory_space<vmem>>, vector<1x32xf32>
    %add3A_42 = vector.broadcast %get3A_41 : vector<1x32xf32> to vector<2048x32xf32>
    %add3A_43 = arith.addf %dot_general3A_38, %add3A_42 : vector<2048x32xf32>
    %max3A_44 = arith.constant 0.000000e+00 : f32
    %max3A_45 = vector.broadcast %max3A_44 : f32 to vector<2048x32xf32>
    %max3A_46 = arith.maximumf %add3A_43, %max3A_45 : vector<2048x32xf32>
    %get3A_47 = arith.constant 0 : index
    %get3A_48 = arith.constant 0 : index
    %get3A_49 = vector.load %arg10[%get3A_47, %get3A_48] : memref<32x1xf32, #tpu.memory_space<vmem>>, vector<32x1xf32>
    %dot_general3A_50 = arith.constant dense<0.000000e+00> : vector<2048x1xf32>
    %dot_general3A_51 = tpu.matmul %max3A_46, %get3A_49, %dot_general3A_50 {dimension_numbers = #tpu.dot_dimension_numbers<[1], [0], [0], [1], [0, 0, 1, 1], [], []>, transpose_lhs_hint = false} : vector<2048x32xf32>, vector<32x1xf32>, vector<2048x1xf32> -> vector<2048x1xf32>
    %get3A_52 = arith.constant 0 : index
    %get3A_53 = arith.constant 0 : index
    %get3A_54 = vector.load %arg11[%get3A_52, %get3A_53] : memref<1x1xf32, #tpu.memory_space<vmem>>, vector<1x1xf32>
    %add3A_55 = vector.broadcast %get3A_54 : vector<1x1xf32> to vector<2048x1xf32>
    %add3A_56 = arith.addf %dot_general3A_51, %add3A_55 : vector<2048x1xf32>
    %logistic3A = arith.negf %add3A_56 : vector<2048x1xf32>
    %logistic3A_57 = math.exp %logistic3A : vector<2048x1xf32>
    %logistic3A_58 = arith.constant 1.000000e+00 : f32
    %logistic3A_59 = vector.broadcast %logistic3A_58 : f32 to vector<2048x1xf32>
    %logistic3A_60 = arith.addf %logistic3A_59, %logistic3A_57 : vector<2048x1xf32>
    %logistic3A_61 = arith.divf %logistic3A_59, %logistic3A_60 : vector<2048x1xf32>
    %swap3A = arith.constant 0 : index
    %swap3A_62 = arith.constant 0 : index
    %swap3A_63 = vector.load %arg12[%swap3A, %swap3A_62] : memref<2048x1xf32, #tpu.memory_space<vmem>>, vector<2048x1xf32>
    tpu.vector_store %arg12[%swap3A, %swap3A_62], %logistic3A_61 {strides = array<i32>} : memref<2048x1xf32, #tpu.memory_space<vmem>>, vector<2048x1xf32>,
    return
  }
  func.func @transform_0(%arg0: i32) -> (i32, i32) {
    %c0_i32 = arith.constant 0 : i32
    %c0_i32_0 = arith.constant 0 : i32
    return %arg0, %c0_i32 : i32, i32
  }
  func.func @transform_1(%arg0: i32) -> (i32, i32) {
    %c0_i32 = arith.constant 0 : i32
    %c0_i32_0 = arith.constant 0 : i32
    return %arg0, %c0_i32 : i32, i32
  }
  func.func @transform_2(%arg0: i32) -> (i32, i32) {
    %c0_i32 = arith.constant 0 : i32
    %c0_i32_0 = arith.constant 0 : i32
    %c0_i32_1 = arith.constant 0 : i32
    return %c0_i32, %c0_i32_0 : i32, i32
  }
  func.func @transform_3(%arg0: i32) -> (i32, i32) {
    %c0_i32 = arith.constant 0 : i32
    %c0_i32_0 = arith.constant 0 : i32
    %c0_i32_1 = arith.constant 0 : i32
    return %c0_i32, %c0_i32_0 : i32, i32
  }
  func.func @transform_4(%arg0: i32) -> (i32, i32) {
    %c0_i32 = arith.constant 0 : i32
    %c0_i32_0 = arith.constant 0 : i32
    %c0_i32_1 = arith.constant 0 : i32
    return %c0_i32, %c0_i32_0 : i32, i32
  }
  func.func @transform_5(%arg0: i32) -> (i32, i32) {
    %c0_i32 = arith.constant 0 : i32
    %c0_i32_0 = arith.constant 0 : i32
    %c0_i32_1 = arith.constant 0 : i32
    return %c0_i32, %c0_i32_0 : i32, i32
  }
  func.func @transform_6(%arg0: i32) -> (i32, i32) {
    %c0_i32 = arith.constant 0 : i32
    %c0_i32_0 = arith.constant 0 : i32
    %c0_i32_1 = arith.constant 0 : i32
    return %c0_i32, %c0_i32_0 : i32, i32
  }
  func.func @transform_7(%arg0: i32) -> (i32, i32) {
    %c0_i32 = arith.constant 0 : i32
    %c0_i32_0 = arith.constant 0 : i32
    %c0_i32_1 = arith.constant 0 : i32
    return %c0_i32, %c0_i32_0 : i32, i32
  }
  func.func @transform_8(%arg0: i32) -> (i32, i32) {
    %c0_i32 = arith.constant 0 : i32
    %c0_i32_0 = arith.constant 0 : i32
    %c0_i32_1 = arith.constant 0 : i32
    return %c0_i32, %c0_i32_0 : i32, i32
  }
  func.func @transform_9(%arg0: i32) -> (i32, i32) {
    %c0_i32 = arith.constant 0 : i32
    %c0_i32_0 = arith.constant 0 : i32
    %c0_i32_1 = arith.constant 0 : i32
    return %c0_i32, %c0_i32_0 : i32, i32
  }
  func.func @transform_10(%arg0: i32) -> (i32, i32) {
    %c0_i32 = arith.constant 0 : i32
    %c0_i32_0 = arith.constant 0 : i32
    %c0_i32_1 = arith.constant 0 : i32
    return %c0_i32, %c0_i32_0 : i32, i32
  }
  func.func @transform_11(%arg0: i32) -> (i32, i32) {
    %c0_i32 = arith.constant 0 : i32
    %c0_i32_0 = arith.constant 0 : i32
    return %arg0, %c0_i32 : i32, i32
  }
}

</mosaic_0001>

<sc_bundles>
// kernel: kernel.4.cloned.1.call-start
scs
__scs_entry_jumppad:
0x0: {  	(pc) =	sbr.rel $0x88, $3  }
0x1: {  	(tag) =	ssettag $0x0;
	lr =	simm.s32 $0x1  }
0x2: {  	[smem:$0x3F95] =	sst lr;
	_ =	strace $0xD0000000  }
0x3: {  	_ = 	snop  }
0x4: {  	_ = 	snop  }
0x5: {  	_ = 	snop  }
0x6: {  	_ = 	snop  }
0x7: {  	_ = 	snop  }
__scs_overlays_trampoline_lowered:
0x8: {  	[smem:$0x3FA4] =	sst s0  }
0x9: {  	[smem:$0x3FA5] =	sst s1  }
0xa: {  	[smem:$0x3FA6] =	sst s2  }
0xb: {  	[smem:$0x3FA7] =	sst s3  }
0xc: {  	[smem:$0x3FA8] =	sst s4  }
0xd: {  	[smem:$0x3FA9] =	sst s5  }
0xe: {  	[smem:$0x3FAA] =	sst s6  }
0xf: {  	[smem:$0x3FAB] =	sst s7  }
0x10: {  	[smem:$0x3FAC] =	sst s8  }
0x11: {  	[smem:$0x3FAD] =	sst s9;
	s0 =	simm.s32 @!p0 $0x0  }
0x12: {  	s1 =	sld [smem:$0x3F93];
	s0 =	simm.s32 @p0 $0x1  }
0x13: {  	[smem:$0x3FAE] =	sst s0;
	s0 =	simm.s32 @!p1 $0x0  }
0x14: {  	s2 =	sld [smem:$0x3F92];
	s0 =	simm.s32 @p1 $0x1  }
0x15: {  	[smem:$0x3FAF] =	sst s0;
	s0 =	simm.s32 @!p2 $0x0  }
0x16: {  	s3 =	sld [smem:$0x3FDB];
	s0 =	simm.s32 @p2 $0x1  }
0x17: {  	s4 =	simm.s32 $0x1BF5;
	[smem:$0x3FB1] =	sst s0  }
0x18: {  	s0 =	sld [smem:$0x3F94];
	_ =	swait.ge [sflag:s4], $0x0  }
0x19: {  	s7 =	sld [smem:$0x3F95]  }
0x1a: {  	s8 =	sadd.s32 $0xFFFFE003, lr  }
0x1b: {  	s9 =	sadd.s32 $0xFFFFFEF7, lr;
	s5 =	simm.s32 $0xFFFFFFFF;
	p2 =	slt.u32 s8, $0xFFFFF086  }
0x1c: {  	p1 =	slt.u32 s9, $0xF7A;
	s5 =	simm.s32 @!p2 $0x0  }
0x1d: {  	s5 =	simm.s32 @p1 $0x1;
	p0 =	seq.s32 s7, s2  }
0x1e: {  	s7 =	smul.u32 @!p0 $0xF7A, s2;
	p2 =	seq.s32 @!p0 s5, $0x0  }
0x1f: {  	s9 =	smul.u32 $0xF7A, s1;
	s8 =	simm.s32 @!p0 $0x1BF5;
	p2 =	por !p2, p0  }
0x20: {  	[sflag:s8] =	ssyncset.s32 @!p0 $0xFFFFF086;
	s6 =	sadd.s32 @!p0 s3, s7;
	s7 =	simm.s32 @!p0 $0x108  }
0x21: {  	s3 =	sadd.s32 s3, s9;
	s6 =	sadd.s32 @!p0 $0x88, s6;
	s7 =	simm.s32 @p2 $0x1082  }
0x22: {  	[simem:s7], [sflag:s8] =	dma.local @!p0 [hbm:s6], $0xF7A  }
0x23: {  	s9 =	sor.u32 $0xD0000000, s2;
	s6 =	simm.s32 $0x108;
	_ =	swait.ge @!p0 [sflag:s8], $0x0  }
0x24: {  	s3 =	sadd.s32 $0x88, s3;
	s6 =	simm.s32 @!p1 $0x1082;
	[sflag:s4] =	ssyncset.s32 $0xFFFFF086  }
0x25: {  	[simem:s6], [sflag:s4] =	dma.local [hbm:s3], $0xF7A  }
0x26: {  	[smem:$0x3F95] =	sst s1;
	(tag) =	ssettag s2;
	_ =	strace s9  }
0x27: {  	s1 =	sld [smem:$0x3FA5]  }
0x28: {  	s2 =	sld [smem:$0x3FA6]  }
0x29: {  	s4 =	sld [smem:$0x3FA8]  }
0x2a: {  	p0 =	seq.s32 s5, $0x0;
	s5 =	sld [smem:$0x3FA9]  }
0x2b: {  	s6 =	sld [smem:$0x3FAA]  }
0x2c: {  	s7 =	sld [smem:$0x3FAB]  }
0x2d: {  	s3 =	simm.s32 $0x108;
	s8 =	sld [smem:$0x3FAC]  }
0x2e: {  	s3 =	simm.s32 @!p0 $0x1082;
	s9 =	sld [smem:$0x3FAD]  }
0x2f: {  	lr =	sadd.s32 s0, s3;
	s0 =	sld [smem:$0x3FA4]  }
0x30: {  	s3 =	sld [smem:$0x3FA7]  }
0x31: {  	[smem:$0x3FB0] =	sst s10  }
0x32: {  	s10 =	sld [smem:$0x3FAE];
	_ =	sdelay $0x3  }
0x33: {  	p0 =	seq.s32 s10, $0x1;
	s10 =	sld [smem:$0x3FB0];
	_ =	sdelay $0x3  }
0x34: {  	[smem:$0x3FB0] =	sst s10  }
0x35: {  	s10 =	sld [smem:$0x3FAF];
	_ =	sdelay $0x3  }
0x36: {  	p1 =	seq.s32 s10, $0x1;
	s10 =	sld [smem:$0x3FB0];
	_ =	sdelay $0x3  }
0x37: {  	[smem:$0x3FB0] =	sst s10  }
0x38: {  	s10 =	sld [smem:$0x3FB1]  }
0x39: {  	_ = 	snop;
	(pc) =	sbr.ind lr, $3  }
0x3a: {  	_ = 	snop  }
0x3b: {  	_ = 	snop  }
0x3c: {  	p2 =	seq.s32 s10, $0x1;
	s10 =	sld [smem:$0x3FB0]  }
0x3d: {  	_ =	shalt  }
0x3e: {  	_ =	shalt  }
0x3f: {  	_ =	shalt  }
0x40: {  	_ =	shalt  }
0x41: {  	_ =	shalt  }
0x42: {  	_ =	shalt  }
0x43: {  	_ =	shalt  }
0x44: {  	_ =	shalt  }
0x45: {  	_ =	shalt  }
0x46: {  	_ =	shalt  }
0x47: {  	_ =	shalt  }
0x48: {  	_ =	shalt  }
0x49: {  	_ =	shalt  }
0x4a: {  	_ =	shalt  }
0x4b: {  	_ =	shalt  }
0x4c: {  	_ =	shalt  }
0x4d: {  	_ =	shalt  }
0x4e: {  	_ =	shalt  }
0x4f: {  	_ =	shalt  }
0x50: {  	_ =	shalt  }
0x51: {  	_ =	shalt  }
0x52: {  	_ =	shalt  }
0x53: {  	_ =	shalt  }
0x54: {  	_ =	shalt  }
0x55: {  	_ =	shalt  }
0x56: {  	_ =	shalt  }
0x57: {  	_ =	shalt  }
0x58: {  	_ =	shalt  }
0x59: {  	_ =	shalt  }
0x5a: {  	_ =	shalt  }
0x5b: {  	_ =	shalt  }
0x5c: {  	_ =	shalt  }
0x5d: {  	_ =	shalt  }
0x5e: {  	_ =	shalt  }
0x5f: {  	_ =	shalt  }
0x60: {  	_ =	shalt  }
0x61: {  	_ =	shalt  }
0x62: {  	_ =	shalt  }
0x63: {  	_ =	shalt  }
0x64: {  	_ =	shalt  }
0x65: {  	_ =	shalt  }
0x66: {  	_ =	shalt  }
0x67: {  	_ =	shalt  }
0x68: {  	_ =	shalt  }
0x69: {  	_ =	shalt  }
0x6a: {  	_ =	shalt  }
0x6b: {  	_ =	shalt  }
0x6c: {  	_ =	shalt  }
0x6d: {  	_ =	shalt  }
0x6e: {  	_ =	shalt  }
0x6f: {  	_ =	shalt  }
0x70: {  	_ =	shalt  }
0x71: {  	_ =	shalt  }
0x72: {  	_ =	shalt  }
0x73: {  	_ =	shalt  }
0x74: {  	_ =	shalt  }
0x75: {  	_ =	shalt  }
0x76: {  	_ =	shalt  }
0x77: {  	_ =	shalt  }
0x78: {  	_ =	shalt  }
0x79: {  	_ =	shalt  }
0x7a: {  	_ =	shalt  }
0x7b: {  	_ =	shalt  }
0x7c: {  	_ =	shalt  }
0x7d: {  	_ =	shalt  }
0x7e: {  	_ =	shalt  }
0x7f: {  	_ =	shalt  }
0x80: {  	_ =	shalt  }
0x81: {  	_ =	shalt  }
0x82: {  	_ =	shalt  }
0x83: {  	_ =	shalt  }
0x84: {  	_ =	shalt  }
0x85: {  	_ =	shalt  }
0x86: {  	_ =	shalt  }
0x87: {  	_ =	shalt  }
.Lfunc_end0:
.L_simem_size_0:
called_computation_lowered:
.L_overlay_start_0:
0x88: {  	s2 =	sld [smem:$0x3FD9]  }
0x89: {  	s3 =	sld [smem:$0x3FFE];
	_ =	sdelay $0x1  }
0x8a: {  	s1 =	srdreg.scid  }
0x8b: {  	s0 =	sand.u32 $0x1, s1  }
0x8c: {  	s17 =	sshll.u32 s0, $0xA;
	s2 =	sadd.s32 s3, s2  }
0x8d: {  	s2 =	sadd.s32 s2, s17  }
0x8e: {  	[smem:$0x3FBC] =	sst s2  }
0x8f: {  	_ = 	snop  }
0x90: {  	s2 =	sld [smem:$0x3FC9]  }
0x91: {  	s18 =	sld [smem:$0x3FC8];
	(tm) =	ssettm $0x1  }
0x92: {  	s4 =	sld [smem:$0x3FFB];
	_ =	sdelay $0x3  }
0x93: {  	_ =	strace s4  }
0x94: {  	s4 =	sld [smem:$0x3FFC];
	_ =	sdelay $0x3  }
0x95: {  	_ =	strace s4  }
0x96: {  	s4 =	sld [smem:$0x3FFD];
	_ =	sdelay $0x3  }
0x97: {  	_ =	strace s4  }
0x98: {  	_ =	strace $0x8FFFFFFF  }
0x99: {  	s19 =	sld [smem:$0x3FDB];
	_ =	sdelay $0x1  }
0x9a: {  	s5 =	simm.s32 $_scs_section_size  }
0x9b: {  	s6 =	simm.s32 $_size__tile_overlayer_lowered;
	s7 =	simm.s32 $_tile_overlayer_lowered  }
0x9c: {  	s22 =	simm.s32 $0x1BFF;
	s21 =	sshll.u32 s7, $0x1;
	s4 =	sadd.s32 s5, s19  }
0x9d: {  	s8 =	simm.s32 $0x0;
	s20 =	sshll.u32 s6, $0x1;
	s6 =	sadd.s32 s21, s4  }
0x9e: {  	[timem:s8], [sflag:s22] =	dma.local [hbm:s6], s20  }
0x9f: {  	_ =	swait.ge [sflag:s22], s20  }
0xa0: {  	s5 =	ssub.s32 $0x0, s20;
	[sflag:s22] =	ssyncset.done $0x0  }
0xa1: {  	[sflag:s22] =	ssyncadd.s32 s5;
	_ =	sdelay $0x1  }
0xa2: {  	s23 =	simm.s32 $0x1B8B  }
0xa3: {  	_ =	swait.ge [sflag:s23], $0x1  }
0xa4: {  	[sflag:s23] =	ssyncset.done $0x0  }
0xa5: {  	s25 =	simm.s32 $0x1B8E;
	s24 =	sld [smem:$0x3FFE];
	[sflag:s23] =	ssyncadd.s32 $0xFFFFFFFF  }
0xa6: {  	s26 =	simm.s32 $execute0_lowered;
	[smem:$0x3FD2] =	sst s25  }
0xa7: {  	s6 =	sshll.u32 s26, $0x1;
	_ =	strace $0x80000046;
	[dreg:$0x1] =	wrdreg $0xFFFFFFFF  }
0xa8: {  	s28 =	simm.s32 $_size_execute0_lowered;
	s4 =	sadd.s32 s4, s6;
	[dreg:$0x0] =	wrdreg $0x0  }
0xa9: {  	s6 =	sshll.u32 s28, $0x1;
	[dreg:$0x2] =	wrdreg s4  }
0xaa: {  	[dreg:$0x3] =	wrdreg s6  }
0xab: {  	[dreg:$0x4] =	wrdreg $0xC0  }
0xac: {  	_ =	task [dreg:s8], $0x5FFFF  }
0xad: {  	[dreg:$0x1] =	wrdreg $0xFFFFFFFF  }
0xae: {  	[dreg:$0x0] =	wrdreg $0x60  }
0xaf: {  	[dreg:$0x2] =	wrdreg s24  }
0xb0: {  	[dreg:$0x3] =	wrdreg s2  }
0xb1: {  	[dreg:$0x4] =	wrdreg s18  }
0xb2: {  	[dreg:$0x5] =	wrdreg $0x9  }
0xb3: {  	_ =	task.clear_ibuf [dreg:s8], $0x6FFFF;
	_ =	strace $0x90000046  }
0xb4: {  	s29 =	simm.s32 $0x9;
	_ =	strace $0x80000048  }
0xb5: {  	_ =	swait.ge [sflag:s29], $0x1  }
0xb6: {  	[sflag:s29] =	ssyncadd.s32 $0xFFFFFFFF  }
0xb7: {  	_ =	strace $0x90000048  }
0xb8: {  	_ =	sfence  }
0xb9: {  	s30 =	sld [smem:$0x0];
	_ =	sdelay $0x2  }
0xba: {  	s31 =	sshll.u32 s1, $0xD;
	s1 =	sshrl.u32 s1, $0x2  }
0xbb: {  	s3 =	sand.u32 $0x4000, s31;
	s1 =	sadd.s32 s1, s30  }
0xbc: {  	s0 =	sor.u32 s3, s0;
	s1 =	sshll.u32 s1, $0x11  }
0xbd: {  	s0 =	sor.u32 s1, s0  }
0xbe: {  	s0 =	sadd.s32 $0x8F2B, s0  }
0xbf: {  	[sflag:s0] =	ssyncadd.remote.s32 $0x1  }
0xc0: {  	_ =	sfence.sel $0xFFFF  }
0xc1: {  	[dreg:$0x0] =	wrdreg $0xFFFFFFFF;
	(pc) =	sbr.abs _section_cstart, $3  }
0xc2: {  	[dreg:$0x1] =	wrdreg $0xFFFFFFFF  }
0xc3: {  	_ =	task.clear_ibuf [dreg:s8], $0x2FFFF;
	_ =	strace $0x9FFFFFFF  }
0xc4: {  	(tm) =	ssettm $0x7FFFFFFF  }
0xc5: {  	_ =	shalt  }
tec
execute0_lowered:
.L_overlay_start_1:
0x0: {  	(tag) =	ssettag $0x1  }
0x1: {  	s5 =	rddreg [dreg:$0x0]  }
0x2: {  	s6 =	rddreg [dreg:$0x1]  }
0x3: {  	s7 =	rddreg [dreg:$0x2];
	s2 =	simm.s32 $0x0  }
0x4: {  	s3 =	srdreg.scid;
	s0 =	stileid.u32;
	s12 =	simm.s32 $0x1  }
0x5: {  	s14 =	simm.s32 $0x0;
	[smem:$0x7FF] =	sst s2;
	s8 =	sand.u32 $0x1, s3  }
0x6: {  	s3 =	sadd.s32 $0x1A00, s5;
	s9 =	sshll.u32 s0, $0xA;
	s10 =	sshll.u32 s8, $0x9  }
0x7: {  	s4 =	sadd.s32 $0xF43E00, s5;
	s8 =	ssub.s32 $0x2, s8;
	s9 =	sor.u32 s10, s9  }
0x8: {  	_ =	strace $0x80000047;
	s11 =	sshrl.u32 s8, $0x1;
	s10 =	sshll.u32 s9, $0x4  }
0x9: {  	s9 =	sshrl.u32 s9, $0x3;
	s11 =	ssub.s32 s8, s11;
	s10 =	sadd.s32 s10, s5  }
0xa: {  	s5 =	sadd.s32 s6, s9;
	s6 =	sadd.s32 s7, s9;
	s9 =	smax.u32 s11, $0x1  }
0xb: {  	s7 =	sadd.s32 $0x1E86200, s10;
	s8 =	sadd.s32 $0x1EC6200, s10;
	s10 =	simm.s32 $0x2  }
.LBB2_1:
0xc: {  	[tilespmem:s2], [sflag:$0x2] =	stream.linear.gather [hbm4b:s5+s2], $0x200, $0x38;
	[tilespmem:$0x10400] =	vst v63  }
0xd: {  	_ =	swait.ge [sflag:s10], $0x200  }
0xe: {  	[sflag:s10] =	ssyncset.done $0x0  }
0xf: {  	s0 =	simm.s32 $0x200;
	[sflag:s10] =	ssyncadd.s32 $0xFFFFFE00  }
0x10: {  	[tilespmem:s0], [sflag:$0x2] =	stream.linear.gather [hbm4b:s6+s2], $0x200, $0x38;
	[tilespmem:$0x10400] =	vst v63  }
0x11: {  	_ =	swait.ge [sflag:s10], $0x200  }
0x12: {  	[sflag:s10] =	ssyncset.done $0x0  }
0x13: {  	[sflag:s10] =	ssyncadd.s32 $0xFFFFFE00  }
0x14: {  	v0 =	vld [tilespmem:s2+$0x0];
	_ =	sdelay $0x4  }
0x15: {  	v0 =	vshll.u32 v0, $0x4  }
0x16: {  	(v2sf) =	vpush v0, $0x0  }
0x17: {  	(v2sf) =	vpush v0, $0x1  }
0x18: {  	(v2sf) =	vpush v0, $0x2;
	_ =	sdelay $0x1  }
0x19: {  	(v2sf) =	vpush v0, $0x4;
	_ =	sdelay $0x1  }
0x1a: {  	(v2sf) =	vpush v0, $0x3  }
0x1b: {  	(v2sf) =	vpush v0, $0x5  }
0x1c: {  	s16 =	simm.s32 $0x2000;
	s15 =	simm.s32 $0x0;
	s17 =	simm.s32 $0x0;
	(v2sf) =	vpush v0, $0x6  }
.LBB2_2:
0x1d: {  	p0 =	sne.s32 s16, $0x3E000  }
0x1e: {  	s28 =	sadd.s32 $0x480, s15;
	s21 =	sadd.s32 $0x980, s15;
	s18 =	smov.u32 s16  }
0x1f: {  	s16 =	sadd.s32 $0x2000, s16;
	s24 =	sadd.s32 $0x780, s15;
	s19 =	sadd.s32 $0xA00, s15;
	(v2sf) =	vpush v0, $0x7  }
0x20: {  	s26 =	sadd.s32 $0x680, s15;
	s23 =	sadd.s32 $0x800, s15;
	s20 =	sadd.s32 $0xA80, s15  }
0x21: {  	s29 =	sadd.s32 $0x400, s15;
	s30 =	sadd.s32 $0x600, s15;
	(v2sf) =	vpush v0, $0x8  }
0x22: {  	s31 =	sadd.s32 $0x700, s15;
	s17 =	sadd.s32 $0x10, s17  }
0x23: {  	s0 =	sadd.s32 $0x500, s15;
	s22 =	sadd.s32 $0x900, s15;
	s25 =	spop (v2sf);
	(v2sf) =	vpush v0, $0x9  }
0x24: {  	s1 =	sand.u32 $0x1FFFFFF0, s25;
	s25 =	sadd.s32 $0x880, s15;
	s11 =	spop (v2sf)  }
0x25: {  	s1 =	sadd.s32 s3, s1;
	s11 =	sand.u32 $0x1FFFFFF0, s11;
	s13 =	spop (v2sf);
	(v2sf) =	vpush v0, $0xA  }
0x26: {  	[tilespmem:s29], [sflag:$0x1] =	stream.linear.gather [hbm4b:s1+s2], $0x80, $0x38;
	[tilespmem:$0x10400] =	vst v63  }
0x27: {  	s1 =	sadd.s32 s3, s11;
	s11 =	sadd.s32 $0x580, s15;
	s29 =	spop (v2sf);
	(v2sf) =	vpush v0, $0xB  }
0x28: {  	[tilespmem:s28], [sflag:$0x1] =	stream.linear.gather [hbm4b:s1+s2], $0x80, $0x38;
	[tilespmem:$0x10400] =	vst v63  }
0x29: {  	s1 =	sand.u32 $0x1FFFFFF0, s13;
	s13 =	sand.u32 $0x1FFFFFF0, s29;
	s28 =	spop (v2sf);
	(v2sf) =	vpush v0, $0xC  }
0x2a: {  	s1 =	sadd.s32 s3, s1;
	s28 =	sand.u32 $0x1FFFFFF0, s28;
	s29 =	spop (v2sf)  }
0x2b: {  	[tilespmem:s0], [sflag:$0x1] =	stream.linear.gather [hbm4b:s1+s2], $0x80, $0x38;
	(v2sf) =	vpush v0, $0xD;
	[tilespmem:$0x10400] =	vst v63  }
0x2c: {  	s0 =	sadd.s32 s3, s28;
	s1 =	sand.u32 $0x1FFFFFF0, s29;
	s28 =	spop (v2sf)  }
0x2d: {  	[tilespmem:s11], [sflag:$0x1] =	stream.linear.gather [hbm4b:s0+s2], $0x80, $0x38;
	(v2sf) =	vpush v0, $0xE;
	[tilespmem:$0x10400] =	vst v63  }
0x2e: {  	s0 =	sadd.s32 s3, s13;
	s11 =	sand.u32 $0x1FFFFFF0, s28;
	s13 =	spop (v2sf)  }
0x2f: {  	[tilespmem:s30], [sflag:$0x1] =	stream.linear.gather [hbm4b:s0+s2], $0x80, $0x38;
	(v2sf) =	vpush v0, $0xF;
	[tilespmem:$0x10400] =	vst v63  }
0x30: {  	s0 =	sadd.s32 s3, s1;
	s1 =	sand.u32 $0x1FFFFFF0, s13;
	s13 =	spop (v2sf)  }
0x31: {  	[tilespmem:s26], [sflag:$0x1] =	stream.linear.gather [hbm4b:s0+s2], $0x80, $0x38;
	[tilespmem:$0x10400] =	vst v63  }
0x32: {  	s0 =	sadd.s32 s3, s11;
	s11 =	sand.u32 $0x1FFFFFF0, s13;
	s13 =	spop (v2sf)  }
0x33: {  	[tilespmem:s31], [sflag:$0x1] =	stream.linear.gather [hbm4b:s0+s2], $0x80, $0x38;
	[tilespmem:$0x10400] =	vst v63  }
0x34: {  	s0 =	sadd.s32 s3, s1;
	s1 =	sand.u32 $0x1FFFFFF0, s13;
	s13 =	spop (v2sf)  }
0x35: {  	[tilespmem:s24], [sflag:$0x1] =	stream.linear.gather [hbm4b:s0+s2], $0x80, $0x38;
	[tilespmem:$0x10400] =	vst v63  }
0x36: {  	s0 =	sadd.s32 s3, s11;
	s11 =	sand.u32 $0x1FFFFFF0, s13;
	s13 =	spop (v2sf)  }
0x37: {  	[tilespmem:s23], [sflag:$0x1] =	stream.linear.gather [hbm4b:s0+s2], $0x80, $0x38;
	[tilespmem:$0x10400] =	vst v63  }
0x38: {  	s0 =	sadd.s32 s3, s1;
	s1 =	sand.u32 $0x1FFFFFF0, s13;
	s13 =	spop (v2sf)  }
0x39: {  	[tilespmem:s25], [sflag:$0x1] =	stream.linear.gather [hbm4b:s0+s2], $0x80, $0x38;
	[tilespmem:$0x10400] =	vst v63  }
0x3a: {  	s0 =	sadd.s32 s3, s11;
	s11 =	sand.u32 $0x1FFFFFF0, s13;
	s13 =	spop (v2sf)  }
0x3b: {  	[tilespmem:s22], [sflag:$0x1] =	stream.linear.gather [hbm4b:s0+s2], $0x80, $0x38;
	[tilespmem:$0x10400] =	vst v63  }
0x3c: {  	s0 =	sadd.s32 s3, s1;
	s1 =	sand.u32 $0x1FFFFFF0, s13;
	s13 =	spop (v2sf)  }
0x3d: {  	[tilespmem:s21], [sflag:$0x1] =	stream.linear.gather [hbm4b:s0+s2], $0x80, $0x38;
	[tilespmem:$0x10400] =	vst v63  }
0x3e: {  	s0 =	sadd.s32 s3, s11;
	s11 =	sand.u32 $0x1FFFFFF0, s13;
	s13 =	spop (v2sf)  }
0x3f: {  	[tilespmem:s19], [sflag:$0x1] =	stream.linear.gather [hbm4b:s0+s2], $0x80, $0x38;
	[tilespmem:$0x10400] =	vst v63  }
0x40: {  	s0 =	sadd.s32 s3, s1;
	s1 =	sand.u32 $0x1FFFFFF0, s13  }
0x41: {  	[tilespmem:s20], [sflag:$0x1] =	stream.linear.gather [hbm4b:s0+s2], $0x80, $0x38;
	[tilespmem:$0x10400] =	vst v63  }
0x42: {  	s11 =	sadd.s32 s3, s11;
	s0 =	sadd.s32 $0xB00, s15  }
0x43: {  	[tilespmem:s0], [sflag:$0x1] =	stream.linear.gather [hbm4b:s11+s2], $0x80, $0x38;
	[tilespmem:$0x10400] =	vst v63  }
0x44: {  	s1 =	sadd.s32 s3, s1;
	s0 =	sadd.s32 $0xB80, s15  }
0x45: {  	[tilespmem:s0], [sflag:$0x1] =	stream.linear.gather [hbm4b:s1+s2], $0x80, $0x38;
	[tilespmem:$0x10400] =	vst v63  }
0x46: {  	v0 =	vld [tilespmem:s17+$0x0];
	_ =	sdelay $0x4  }
0x47: {  	v0 =	vshll.u32 v0, $0x4  }
0x48: {  	(v2sf) =	vpush v0, $0x0  }
0x49: {  	(v2sf) =	vpush v0, $0x1  }
0x4a: {  	(v2sf) =	vpush v0, $0x2;
	_ =	sdelay $0x1  }
0x4b: {  	(v2sf) =	vpush v0, $0x4  }
.Ltmp0:
0x4c: {  	(pc) =	sbr.rel @p0 .LBB2_2-.Ltmp0, $3  }
0x4d: {  	(v2sf) =	vpush v0, $0x3  }
0x4e: {  	(v2sf) =	vpush v0, $0x5;
	_ =	sdelay $0x1  }
0x4f: {  	s15 =	sshra.s32 s18, $0x2;
	(v2sf) =	vpush v0, $0x6  }
0x50: {  	_ =	sdelay $0x1  }
0x51: {  	s0 =	sadd.s32 $0x480, s15;
	s18 =	sadd.s32 $0x980, s15  }
0x52: {  	s1 =	sadd.s32 $0x780, s15;
	s16 =	sadd.s32 $0xA00, s15;
	(v2sf) =	vpush v0, $0x7;
	s11 =	sadd.s32 $0x680, s15  }
0x53: {  	s13 =	sadd.s32 $0x800, s15;
	s17 =	sadd.s32 $0xA80, s15;
	s19 =	sadd.s32 $0x400, s15  }
0x54: {  	s20 =	sadd.s32 $0x600, s15;
	s21 =	sadd.s32 $0x700, s15;
	(v2sf) =	vpush v0, $0x8;
	s22 =	spop (v2sf)  }
0x55: {  	s23 =	sadd.s32 $0x500, s15;
	s22 =	sand.u32 $0x1FFFFFF0, s22;
	s24 =	spop (v2sf)  }
0x56: {  	(v2sf) =	vpush v0, $0x9;
	s22 =	sadd.s32 s3, s22;
	s24 =	sand.u32 $0x1FFFFFF0, s24;
	s25 =	spop (v2sf)  }
0x57: {  	[tilespmem:s19], [sflag:$0x1] =	stream.linear.gather [hbm4b:s22+s2], $0x80, $0x38;
	[tilespmem:$0x10400] =	vst v63  }
0x58: {  	(v2sf) =	vpush v0, $0xA;
	s26 =	sadd.s32 s3, s24;
	s29 =	sand.u32 $0x1FFFFFF0, s25;
	s28 =	spop (v2sf)  }
0x59: {  	[tilespmem:s0], [sflag:$0x1] =	stream.linear.gather [hbm4b:s26+s2], $0x80, $0x38;
	[tilespmem:$0x10400] =	vst v63  }
0x5a: {  	s19 =	sadd.s32 $0x900, s15;
	(v2sf) =	vpush v0, $0xB;
	s22 =	sadd.s32 s3, s29;
	s30 =	spop (v2sf)  }
0x5b: {  	s0 =	sadd.s32 $0x880, s15;
	s26 =	sadd.s32 $0x580, s15;
	s25 =	sand.u32 $0x1FFFFFF0, s30  }
0x5c: {  	(v2sf) =	vpush v0, $0xC;
	[tilespmem:s23], [sflag:$0x1] =	stream.linear.gather [hbm4b:s22+s2], $0x80, $0x38;
	[tilespmem:$0x10400] =	vst v63  }
0x5d: {  	s31 =	sand.u32 $0x1FFFFFF0, s28;
	s28 =	spop (v2sf);
	s29 =	sadd.s32 s3, s25  }
0x5e: {  	(v2sf) =	vpush v0, $0xD;
	[tilespmem:s26], [sflag:$0x1] =	stream.linear.gather [hbm4b:s29+s2], $0x80, $0x38;
	[tilespmem:$0x10400] =	vst v63  }
0x5f: {  	s22 =	sadd.s32 s3, s31;
	s23 =	sand.u32 $0x1FFFFFF0, s28;
	s30 =	spop (v2sf)  }
0x60: {  	(v2sf) =	vpush v0, $0xE;
	[tilespmem:s20], [sflag:$0x1] =	stream.linear.gather [hbm4b:s22+s2], $0x80, $0x38;
	[tilespmem:$0x10400] =	vst v63  }
0x61: {  	s23 =	sadd.s32 s3, s23;
	s31 =	sand.u32 $0x1FFFFFF0, s30;
	s24 =	spop (v2sf)  }
0x62: {  	(v2sf) =	vpush v0, $0xF;
	[tilespmem:s11], [sflag:$0x1] =	stream.linear.gather [hbm4b:s23+s2], $0x80, $0x38;
	[tilespmem:$0x10400] =	vst v63  }
0x63: {  	s25 =	sand.u32 $0x1FFFFFF0, s24;
	s26 =	spop (v2sf);
	s20 =	sadd.s32 s3, s31  }
0x64: {  	[tilespmem:s21], [sflag:$0x1] =	stream.linear.gather [hbm4b:s20+s2], $0x80, $0x38;
	[tilespmem:$0x10400] =	vst v63  }
0x65: {  	s28 =	sand.u32 $0x1FFFFFF0, s26;
	s11 =	sadd.s32 s3, s25;
	s29 =	spop (v2sf)  }
0x66: {  	[tilespmem:s1], [sflag:$0x1] =	stream.linear.gather [hbm4b:s11+s2], $0x80, $0x38;
	[tilespmem:$0x10400] =	vst v63  }
0x67: {  	s20 =	sadd.s32 s3, s28;
	s30 =	sand.u32 $0x1FFFFFF0, s29;
	s31 =	spop (v2sf)  }
0x68: {  	[tilespmem:s13], [sflag:$0x1] =	stream.linear.gather [hbm4b:s20+s2], $0x80, $0x38;
	[tilespmem:$0x10400] =	vst v63  }
0x69: {  	s11 =	sand.u32 $0x1FFFFFF0, s31;
	s1 =	sadd.s32 s3, s30;
	s20 =	spop (v2sf)  }
0x6a: {  	[tilespmem:s0], [sflag:$0x1] =	stream.linear.gather [hbm4b:s1+s2], $0x80, $0x38;
	[tilespmem:$0x10400] =	vst v63  }
0x6b: {  	s11 =	sadd.s32 s3, s11;
	s21 =	sand.u32 $0x1FFFFFF0, s20;
	s22 =	spop (v2sf)  }
0x6c: {  	[tilespmem:s19], [sflag:$0x1] =	stream.linear.gather [hbm4b:s11+s2], $0x80, $0x38;
	[tilespmem:$0x10400] =	vst v63  }
0x6d: {  	s0 =	sadd.s32 s3, s21;
	s1 =	sand.u32 $0x1FFFFFF0, s22;
	s23 =	spop (v2sf)  }
0x6e: {  	[tilespmem:s18], [sflag:$0x1] =	stream.linear.gather [hbm4b:s0+s2], $0x80, $0x38;
	[tilespmem:$0x10400] =	vst v63  }
0x6f: {  	s24 =	sand.u32 $0x1FFFFFF0, s23;
	s1 =	sadd.s32 s3, s1;
	s25 =	spop (v2sf)  }
0x70: {  	[tilespmem:s16], [sflag:$0x1] =	stream.linear.gather [hbm4b:s1+s2], $0x80, $0x38;
	[tilespmem:$0x10400] =	vst v63  }
0x71: {  	s26 =	sand.u32 $0x1FFFFFF0, s25;
	s28 =	spop (v2sf);
	s0 =	sadd.s32 s3, s24  }
0x72: {  	[tilespmem:s17], [sflag:$0x1] =	stream.linear.gather [hbm4b:s0+s2], $0x80, $0x38;
	[tilespmem:$0x10400] =	vst v63  }
0x73: {  	s30 =	sadd.s32 $0xB00, s15;
	s29 =	sand.u32 $0x1FFFFFF0, s28;
	s1 =	sadd.s32 s3, s26  }
0x74: {  	[tilespmem:s30], [sflag:$0x1] =	stream.linear.gather [hbm4b:s1+s2], $0x80, $0x38;
	[tilespmem:$0x10400] =	vst v63  }
0x75: {  	s31 =	sadd.s32 $0xB80, s15;
	s0 =	sadd.s32 s3, s29  }
0x76: {  	[tilespmem:s31], [sflag:$0x1] =	stream.linear.gather [hbm4b:s0+s2], $0x80, $0x38;
	[tilespmem:$0x10400] =	vst v63  }
0x77: {  	_ =	swait.ge [sflag:s12], $0x80  }
0x78: {  	s15 =	simm.s32 $0x1FF;
	[sflag:s12] =	ssyncset.done $0x0  }
.LBB2_4:
0x79: {  	p0 =	sne.s32 s15, $0x1;
	s15 =	sadd.s32 $0xFFFFFFFF, s15;
	[sflag:s12] =	ssyncadd.s32 $0xFFFFFF80  }
.Ltmp1:
0x7a: {  	(pc) =	sbr.rel @p0 .LBB2_4-.Ltmp1, $3  }
0x7b: {  	_ =	sdelay $0x1  }
0x7c: {  	_ =	swait.ge [sflag:s12], $0x80  }
0x7d: {  	[sflag:s12] =	ssyncset.done $0x0  }
0x7e: {  	[sflag:s12] =	ssyncadd.s32 $0xFFFFFF80;
	s0 =	simm.s32 $0x0;
	s1 =	simm.s32 $0x400  }
0x7f: {  	[hbm4b:s7+s0] =	stream.linear.scatter [tilespmem:s1], [sflag:$0x2], $0x10000, $0x38;
	[tilespmem:$0x10400] =	vst v63  }
0x80: {  	_ =	swait.ge [sflag:s10], $0x10000  }
0x81: {  	[sflag:s10] =	ssyncset.done $0x0  }
0x82: {  	s16 =	simm.s32 $0x200;
	[sflag:s10] =	ssyncadd.s32 $0xFFFF0000  }
0x83: {  	v0 =	vld [tilespmem:s16+$0x0];
	_ =	sdelay $0x4  }
0x84: {  	v0 =	vshll.u32 v0, $0x4  }
0x85: {  	(v2sf) =	vpush v0, $0x0  }
0x86: {  	(v2sf) =	vpush v0, $0x1  }
0x87: {  	(v2sf) =	vpush v0, $0x2;
	_ =	sdelay $0x1  }
0x88: {  	(v2sf) =	vpush v0, $0x4;
	_ =	sdelay $0x1  }
0x89: {  	(v2sf) =	vpush v0, $0x3  }
0x8a: {  	(v2sf) =	vpush v0, $0x5  }
0x8b: {  	s17 =	simm.s32 $0x2000;
	s15 =	simm.s32 $0x0;
	(v2sf) =	vpush v0, $0x6  }
.LBB2_6:
0x8c: {  	p0 =	sne.s32 s17, $0x3E000  }
0x8d: {  	s0 =	sadd.s32 $0x480, s15;
	s21 =	sadd.s32 $0x980, s15;
	s18 =	smov.u32 s17  }
0x8e: {  	s17 =	sadd.s32 $0x2000, s17;
	s24 =	sadd.s32 $0x780, s15;
	s19 =	sadd.s32 $0xA00, s15;
	(v2sf) =	vpush v0, $0x7  }
0x8f: {  	s26 =	sadd.s32 $0x680, s15;
	s23 =	sadd.s32 $0x800, s15;
	s20 =	sadd.s32 $0xA80, s15  }
0x90: {  	s1 =	sadd.s32 $0x400, s15;
	s11 =	sadd.s32 $0x600, s15;
	(v2sf) =	vpush v0, $0x8  }
0x91: {  	s13 =	sadd.s32 $0x700, s15;
	s16 =	sadd.s32 $0x10, s16  }
0x92: {  	s28 =	sadd.s32 $0x500, s15;
	s22 =	sadd.s32 $0x900, s15;
	s25 =	spop (v2sf);
	(v2sf) =	vpush v0, $0x9  }
0x93: {  	s29 =	sand.u32 $0x1FFFFFF0, s25;
	s25 =	sadd.s32 $0x880, s15;
	s30 =	spop (v2sf)  }
0x94: {  	s29 =	sadd.s32 s4, s29;
	s30 =	sand.u32 $0x1FFFFFF0, s30;
	s31 =	spop (v2sf);
	(v2sf) =	vpush v0, $0xA  }
0x95: {  	[tilespmem:s1], [sflag:$0x1] =	stream.linear.gather [hbm4b:s29+s2], $0x80, $0x38;
	[tilespmem:$0x10400] =	vst v63  }
0x96: {  	s1 =	sadd.s32 s4, s30;
	s29 =	sadd.s32 $0x580, s15;
	s30 =	spop (v2sf);
	(v2sf) =	vpush v0, $0xB  }
0x97: {  	[tilespmem:s0], [sflag:$0x1] =	stream.linear.gather [hbm4b:s1+s2], $0x80, $0x38;
	[tilespmem:$0x10400] =	vst v63  }
0x98: {  	s0 =	sand.u32 $0x1FFFFFF0, s31;
	s1 =	sand.u32 $0x1FFFFFF0, s30;
	s30 =	spop (v2sf);
	(v2sf) =	vpush v0, $0xC  }
0x99: {  	s0 =	sadd.s32 s4, s0;
	s30 =	sand.u32 $0x1FFFFFF0, s30;
	s31 =	spop (v2sf)  }
0x9a: {  	[tilespmem:s28], [sflag:$0x1] =	stream.linear.gather [hbm4b:s0+s2], $0x80, $0x38;
	(v2sf) =	vpush v0, $0xD;
	[tilespmem:$0x10400] =	vst v63  }
0x9b: {  	s0 =	sadd.s32 s4, s30;
	s28 =	sand.u32 $0x1FFFFFF0, s31;
	s30 =	spop (v2sf)  }
0x9c: {  	[tilespmem:s29], [sflag:$0x1] =	stream.linear.gather [hbm4b:s0+s2], $0x80, $0x38;
	(v2sf) =	vpush v0, $0xE;
	[tilespmem:$0x10400] =	vst v63  }
0x9d: {  	s0 =	sadd.s32 s4, s1;
	s1 =	sand.u32 $0x1FFFFFF0, s30;
	s29 =	spop (v2sf)  }
0x9e: {  	[tilespmem:s11], [sflag:$0x1] =	stream.linear.gather [hbm4b:s0+s2], $0x80, $0x38;
	(v2sf) =	vpush v0, $0xF;
	[tilespmem:$0x10400] =	vst v63  }
0x9f: {  	s0 =	sadd.s32 s4, s28;
	s11 =	sand.u32 $0x1FFFFFF0, s29;
	s28 =	spop (v2sf)  }
0xa0: {  	[tilespmem:s26], [sflag:$0x1] =	stream.linear.gather [hbm4b:s0+s2], $0x80, $0x38;
	[tilespmem:$0x10400] =	vst v63  }
0xa1: {  	s0 =	sadd.s32 s4, s1;
	s1 =	sand.u32 $0x1FFFFFF0, s28;
	s26 =	spop (v2sf)  }
0xa2: {  	[tilespmem:s13], [sflag:$0x1] =	stream.linear.gather [hbm4b:s0+s2], $0x80, $0x38;
	[tilespmem:$0x10400] =	vst v63  }
0xa3: {  	s0 =	sadd.s32 s4, s11;
	s11 =	sand.u32 $0x1FFFFFF0, s26;
	s13 =	spop (v2sf)  }
0xa4: {  	[tilespmem:s24], [sflag:$0x1] =	stream.linear.gather [hbm4b:s0+s2], $0x80, $0x38;
	[tilespmem:$0x10400] =	vst v63  }
0xa5: {  	s0 =	sadd.s32 s4, s1;
	s1 =	sand.u32 $0x1FFFFFF0, s13;
	s13 =	spop (v2sf)  }
0xa6: {  	[tilespmem:s23], [sflag:$0x1] =	stream.linear.gather [hbm4b:s0+s2], $0x80, $0x38;
	[tilespmem:$0x10400] =	vst v63  }
0xa7: {  	s0 =	sadd.s32 s4, s11;
	s11 =	sand.u32 $0x1FFFFFF0, s13;
	s13 =	spop (v2sf)  }
0xa8: {  	[tilespmem:s25], [sflag:$0x1] =	stream.linear.gather [hbm4b:s0+s2], $0x80, $0x38;
	[tilespmem:$0x10400] =	vst v63  }
0xa9: {  	s0 =	sadd.s32 s4, s1;
	s1 =	sand.u32 $0x1FFFFFF0, s13;
	s13 =	spop (v2sf)  }
0xaa: {  	[tilespmem:s22], [sflag:$0x1] =	stream.linear.gather [hbm4b:s0+s2], $0x80, $0x38;
	[tilespmem:$0x10400] =	vst v63  }
0xab: {  	s0 =	sadd.s32 s4, s11;
	s11 =	sand.u32 $0x1FFFFFF0, s13;
	s13 =	spop (v2sf)  }
0xac: {  	[tilespmem:s21], [sflag:$0x1] =	stream.linear.gather [hbm4b:s0+s2], $0x80, $0x38;
	[tilespmem:$0x10400] =	vst v63  }
0xad: {  	s0 =	sadd.s32 s4, s1;
	s1 =	sand.u32 $0x1FFFFFF0, s13;
	s13 =	spop (v2sf)  }
0xae: {  	[tilespmem:s19], [sflag:$0x1] =	stream.linear.gather [hbm4b:s0+s2], $0x80, $0x38;
	[tilespmem:$0x10400] =	vst v63  }
0xaf: {  	s0 =	sadd.s32 s4, s11;
	s11 =	sand.u32 $0x1FFFFFF0, s13  }
0xb0: {  	[tilespmem:s20], [sflag:$0x1] =	stream.linear.gather [hbm4b:s0+s2], $0x80, $0x38;
	[tilespmem:$0x10400] =	vst v63  }
0xb1: {  	s1 =	sadd.s32 s4, s1;
	s0 =	sadd.s32 $0xB00, s15  }
0xb2: {  	[tilespmem:s0], [sflag:$0x1] =	stream.linear.gather [hbm4b:s1+s2], $0x80, $0x38;
	[tilespmem:$0x10400] =	vst v63  }
0xb3: {  	s0 =	sadd.s32 $0xB80, s15;
	s1 =	sadd.s32 s4, s11  }
0xb4: {  	[tilespmem:s0], [sflag:$0x1] =	stream.linear.gather [hbm4b:s1+s2], $0x80, $0x38;
	[tilespmem:$0x10400] =	vst v63  }
0xb5: {  	v0 =	vld [tilespmem:s16+$0x0];
	_ =	sdelay $0x4  }
0xb6: {  	v0 =	vshll.u32 v0, $0x4  }
0xb7: {  	(v2sf) =	vpush v0, $0x0  }
0xb8: {  	(v2sf) =	vpush v0, $0x1  }
0xb9: {  	(v2sf) =	vpush v0, $0x2;
	_ =	sdelay $0x1  }
0xba: {  	(v2sf) =	vpush v0, $0x4  }
.Ltmp2:
0xbb: {  	(pc) =	sbr.rel @p0 .LBB2_6-.Ltmp2, $3  }
0xbc: {  	(v2sf) =	vpush v0, $0x3  }
0xbd: {  	(v2sf) =	vpush v0, $0x5;
	_ =	sdelay $0x1  }
0xbe: {  	s15 =	sshra.s32 s18, $0x2;
	(v2sf) =	vpush v0, $0x6  }
0xbf: {  	_ =	sdelay $0x1  }
0xc0: {  	s0 =	sadd.s32 $0x480, s15;
	s18 =	sadd.s32 $0x980, s15  }
0xc1: {  	s1 =	sadd.s32 $0x780, s15;
	s16 =	sadd.s32 $0xA00, s15;
	(v2sf) =	vpush v0, $0x7;
	s11 =	sadd.s32 $0x680, s15  }
0xc2: {  	s13 =	sadd.s32 $0x800, s15;
	s17 =	sadd.s32 $0xA80, s15;
	s19 =	sadd.s32 $0x400, s15  }
0xc3: {  	s20 =	sadd.s32 $0x600, s15;
	s21 =	sadd.s32 $0x700, s15;
	(v2sf) =	vpush v0, $0x8;
	s22 =	spop (v2sf)  }
0xc4: {  	s23 =	sadd.s32 $0x500, s15;
	s22 =	sand.u32 $0x1FFFFFF0, s22;
	s24 =	spop (v2sf)  }
0xc5: {  	(v2sf) =	vpush v0, $0x9;
	s22 =	sadd.s32 s4, s22;
	s24 =	sand.u32 $0x1FFFFFF0, s24;
	s25 =	spop (v2sf)  }
0xc6: {  	[tilespmem:s19], [sflag:$0x1] =	stream.linear.gather [hbm4b:s22+s2], $0x80, $0x38;
	[tilespmem:$0x10400] =	vst v63  }
0xc7: {  	(v2sf) =	vpush v0, $0xA;
	s26 =	sadd.s32 s4, s24;
	s29 =	sand.u32 $0x1FFFFFF0, s25;
	s28 =	spop (v2sf)  }
0xc8: {  	[tilespmem:s0], [sflag:$0x1] =	stream.linear.gather [hbm4b:s26+s2], $0x80, $0x38;
	[tilespmem:$0x10400] =	vst v63  }
0xc9: {  	s19 =	sadd.s32 $0x900, s15;
	(v2sf) =	vpush v0, $0xB;
	s22 =	sadd.s32 s4, s29;
	s30 =	spop (v2sf)  }
0xca: {  	s0 =	sadd.s32 $0x880, s15;
	s26 =	sadd.s32 $0x580, s15;
	s25 =	sand.u32 $0x1FFFFFF0, s30  }
0xcb: {  	(v2sf) =	vpush v0, $0xC;
	[tilespmem:s23], [sflag:$0x1] =	stream.linear.gather [hbm4b:s22+s2], $0x80, $0x38;
	[tilespmem:$0x10400] =	vst v63  }
0xcc: {  	s31 =	sand.u32 $0x1FFFFFF0, s28;
	s28 =	spop (v2sf);
	s29 =	sadd.s32 s4, s25  }
0xcd: {  	(v2sf) =	vpush v0, $0xD;
	[tilespmem:s26], [sflag:$0x1] =	stream.linear.gather [hbm4b:s29+s2], $0x80, $0x38;
	[tilespmem:$0x10400] =	vst v63  }
0xce: {  	s22 =	sadd.s32 s4, s31;
	s23 =	sand.u32 $0x1FFFFFF0, s28;
	s30 =	spop (v2sf)  }
0xcf: {  	(v2sf) =	vpush v0, $0xE;
	[tilespmem:s20], [sflag:$0x1] =	stream.linear.gather [hbm4b:s22+s2], $0x80, $0x38;
	[tilespmem:$0x10400] =	vst v63  }
0xd0: {  	s23 =	sadd.s32 s4, s23;
	s31 =	sand.u32 $0x1FFFFFF0, s30;
	s24 =	spop (v2sf)  }
0xd1: {  	(v2sf) =	vpush v0, $0xF;
	[tilespmem:s11], [sflag:$0x1] =	stream.linear.gather [hbm4b:s23+s2], $0x80, $0x38;
	[tilespmem:$0x10400] =	vst v63  }
0xd2: {  	s25 =	sand.u32 $0x1FFFFFF0, s24;
	s26 =	spop (v2sf);
	s20 =	sadd.s32 s4, s31  }
0xd3: {  	[tilespmem:s21], [sflag:$0x1] =	stream.linear.gather [hbm4b:s20+s2], $0x80, $0x38;
	[tilespmem:$0x10400] =	vst v63  }
0xd4: {  	s28 =	sand.u32 $0x1FFFFFF0, s26;
	s11 =	sadd.s32 s4, s25;
	s29 =	spop (v2sf)  }
0xd5: {  	[tilespmem:s1], [sflag:$0x1] =	stream.linear.gather [hbm4b:s11+s2], $0x80, $0x38;
	[tilespmem:$0x10400] =	vst v63  }
0xd6: {  	s20 =	sadd.s32 s4, s28;
	s30 =	sand.u32 $0x1FFFFFF0, s29;
	s31 =	spop (v2sf)  }
0xd7: {  	[tilespmem:s13], [sflag:$0x1] =	stream.linear.gather [hbm4b:s20+s2], $0x80, $0x38;
	[tilespmem:$0x10400] =	vst v63  }
0xd8: {  	s11 =	sand.u32 $0x1FFFFFF0, s31;
	s1 =	sadd.s32 s4, s30;
	s20 =	spop (v2sf)  }
0xd9: {  	[tilespmem:s0], [sflag:$0x1] =	stream.linear.gather [hbm4b:s1+s2], $0x80, $0x38;
	[tilespmem:$0x10400] =	vst v63  }
0xda: {  	s11 =	sadd.s32 s4, s11;
	s21 =	sand.u32 $0x1FFFFFF0, s20;
	s22 =	spop (v2sf)  }
0xdb: {  	[tilespmem:s19], [sflag:$0x1] =	stream.linear.gather [hbm4b:s11+s2], $0x80, $0x38;
	[tilespmem:$0x10400] =	vst v63  }
0xdc: {  	s0 =	sadd.s32 s4, s21;
	s1 =	sand.u32 $0x1FFFFFF0, s22;
	s23 =	spop (v2sf)  }
0xdd: {  	[tilespmem:s18], [sflag:$0x1] =	stream.linear.gather [hbm4b:s0+s2], $0x80, $0x38;
	[tilespmem:$0x10400] =	vst v63  }
0xde: {  	s24 =	sand.u32 $0x1FFFFFF0, s23;
	s1 =	sadd.s32 s4, s1;
	s25 =	spop (v2sf)  }
0xdf: {  	[tilespmem:s16], [sflag:$0x1] =	stream.linear.gather [hbm4b:s1+s2], $0x80, $0x38;
	[tilespmem:$0x10400] =	vst v63  }
0xe0: {  	s26 =	sand.u32 $0x1FFFFFF0, s25;
	s28 =	spop (v2sf);
	s0 =	sadd.s32 s4, s24  }
0xe1: {  	[tilespmem:s17], [sflag:$0x1] =	stream.linear.gather [hbm4b:s0+s2], $0x80, $0x38;
	[tilespmem:$0x10400] =	vst v63  }
0xe2: {  	s30 =	sadd.s32 $0xB00, s15;
	s29 =	sand.u32 $0x1FFFFFF0, s28;
	s1 =	sadd.s32 s4, s26  }
0xe3: {  	[tilespmem:s30], [sflag:$0x1] =	stream.linear.gather [hbm4b:s1+s2], $0x80, $0x38;
	[tilespmem:$0x10400] =	vst v63  }
0xe4: {  	s31 =	sadd.s32 $0xB80, s15;
	s0 =	sadd.s32 s4, s29  }
0xe5: {  	[tilespmem:s31], [sflag:$0x1] =	stream.linear.gather [hbm4b:s0+s2], $0x80, $0x38;
	[tilespmem:$0x10400] =	vst v63  }
0xe6: {  	_ =	swait.ge [sflag:s12], $0x80  }
0xe7: {  	s15 =	simm.s32 $0x1FF;
	[sflag:s12] =	ssyncset.done $0x0  }
.LBB2_8:
0xe8: {  	p0 =	sne.s32 s15, $0x1;
	s15 =	sadd.s32 $0xFFFFFFFF, s15;
	[sflag:s12] =	ssyncadd.s32 $0xFFFFFF80  }
.Ltmp3:
0xe9: {  	(pc) =	sbr.rel @p0 .LBB2_8-.Ltmp3, $3  }
0xea: {  	_ =	sdelay $0x1  }
0xeb: {  	_ =	swait.ge [sflag:s12], $0x80  }
0xec: {  	[sflag:s12] =	ssyncset.done $0x0  }
0xed: {  	s14 =	sadd.s32 $0x1, s14  }
0xee: {  	p0 =	sne.s32 s14, s9  }
.Ltmp4:
0xef: {  	[sflag:s12] =	ssyncadd.s32 $0xFFFFFF80;
	s0 =	simm.s32 $0x400;
	(pc) =	sbr.rel @p0 .LBB2_1-.Ltmp4, $4  }
0xf0: {  	[hbm4b:s8+s2] =	stream.linear.scatter [tilespmem:s0], [sflag:$0x2], $0x10000, $0x38;
	[tilespmem:$0x10400] =	vst v63  }
0xf1: {  	_ =	swait.ge [sflag:s10], $0x10000  }
0xf2: {  	[sflag:s10] =	ssyncset.done $0x0  }
0xf3: {  	[sflag:s10] =	ssyncadd.s32 $0xFFFF0000  }
0xf4: {  	_ =	sfence.sel $0x180000  }
0xf5: {  	[bflag:$0x0] =	sbarrier.arrive $0xFFFF  }
0xf6: {  	_ =	strace $0x90000047  }
0xf7: {  	s0 =	stileid.u32;
	[bflag:$0x2] =	sbarrier.arrive $0xFFFF  }
0xf8: {  	p0 =	sne.s32 s0, $0x0;
	s0 =	rddreg [dreg:$0x3]  }
0xf9: {  	s0 =	sadd.s32 @!p0 $0x100000, s0  }
0xfa: {  	[sflag:s0] =	ssyncadd.tile.s32 @!p0 $0x1;
	_ =	shalt  }
.Lfunc_end2:
_tile_overlayer_lowered:
.L_overlay_start_2:
0xfb: {  	(tag) =	ssettag $0x2  }
0xfc: {  	s0 =	rddreg [dreg:$0x0];
	s2 =	stileid.u32  }
0xfd: {  	s1 =	rddreg [dreg:$0x1];
	p0 =	sne.s32 s2, $0x0  }
0xfe: {  	s3 =	rddreg [dreg:$0x2];
	[bflag:$0x3] =	sbarrier.arrive $0xFFFF;
	s2 =	simm.s32 @!p0 $0x1C02  }
0xff: {  	[timem:s3], [sflag:s2] =	dma.local @!p0 [hbm:s0], s1  }
0x100: {  	s0 =	simm.s32 @!p0 $0x2  }
0x101: {  	_ =	swait.ge @!p0 [sflag:s0], s1  }
0x102: {  	s1 =	ssub.s32 @!p0 $0x0, s1;
	[sflag:s0] =	ssyncset.done @!p0 $0x0  }
0x103: {  	[sflag:s0] =	ssyncadd.s32 @!p0 s1  }
0x104: {  	[bflag:$0x3] =	sbarrier.arrive $0xFFFF  }
0x105: {  	_ =	shalt  }

</sc_bundles>
